<compile_context>
chip_gen: v7x
topology: tpu7x:2x2x1
jax: 0.10.2.dev20260603
libtpu: 0.0.44.dev20260713+nightly
codegen_flags: <defaults>
</compile_context>

<pallas_src>
import jax
import jax.numpy as jnp
from jax.experimental import pallas as pl
from jax.experimental.pallas import tpu as pltpu
from jax.experimental.pallas import tpu_sc as plsc

G = 32
B_TOT = 256
K = 1024
D = 64
HID = 128

NC, NS = 2, 16
NW = NC * NS
ROWS = B_TOT * 64
BPW = ROWS // NW


def _mm(a, b):
    return jax.lax.dot_general(a, b, (((1,), (0,)), ((), ())),
                               preferred_element_type=jnp.float32)


def _enc_block(p1_ref, w1_ref, b1_ref, w2c_ref, b2_ref, cbt_ref, idx_ref):
    g = p1_ref.shape[0]
    f32 = jnp.float32

    p1 = p1_ref[...]
    m = _mm(p1.reshape(g * 4 * 64, 48), w1_ref[...])
    h1 = jax.nn.relu(m + b1_ref[...][None, :]).reshape(g, 4, 8, 8, HID)

    h1p = {}
    for py in range(2):
        for px in range(2):
            h1p[(py, px)] = jnp.pad(
                h1[:, py * 2 + px],
                ((0, 0), (py, 1 - py), (px, 1 - px), (0, 0)))

    w2c = w2c_ref[...]
    e = jnp.zeros((g * 64, D), f32)
    for pr in range(2):
        for pc in range(2):
            a = h1p[(pr, pc)]
            cat = jnp.concatenate(
                [a[:, oy:oy + 8, ox:ox + 8, :]
                 for oy in range(2) for ox in range(2)], axis=-1)
            e = e + _mm(cat.reshape(g * 64, 4 * HID), w2c[pr * 2 + pc])
    e = e + b2_ref[...][None, :]

    cbt = cbt_ref[...]
    cn = jnp.sum(cbt * cbt, axis=0)
    scores = cn[None, :] - 2.0 * _mm(e, cbt)
    idx_ref[...] = jnp.argmin(scores, axis=1).astype(jnp.int32).reshape(g, 64)


SC_STAGE = K // NS


def _sc_gather_body(table_ref, idx_ref, out_ref, tspm, stage_v, idx_v,
                    rows_v, sem):
    sid = jax.lax.axis_index("s")
    wid = sid * NC + jax.lax.axis_index("c")
    pltpu.sync_copy(table_ref.at[pl.ds(sid * SC_STAGE, SC_STAGE)], stage_v)
    pltpu.sync_copy(stage_v, tspm.at[pl.ds(sid * SC_STAGE, SC_STAGE)])
    plsc.subcore_barrier()
    base = wid * BPW
    pltpu.sync_copy(idx_ref.at[pl.ds(base, BPW)], idx_v)
    pltpu.async_copy(tspm.at[idx_v], rows_v, sem).wait()
    pltpu.sync_copy(rows_v, out_ref.at[pl.ds(base, BPW)])


def _dec_block(q_ref, d1t_ref, db1_ref, d2a_ref, db2_ref, out_ref):
    g = q_ref.shape[0] // 64
    q = q_ref[...]

    d1t = d1t_ref[...]
    db1 = db1_ref[...]
    big = _mm(q, d1t)
    pp1 = [jnp.pad(big[:, HID * t:HID * (t + 1)].reshape(g, 8, 8, HID),
                   ((0, 0), (1, 1), (1, 1), (0, 0)))
           for t in range(16)]
    h2 = {}
    for R in range(2):
        for S in range(2):
            acc = None
            for i in range(2):
                sy = R - 1 + i
                for j in range(2):
                    sx = S - 1 + j
                    t = (R + 2 * i) * 4 + (S + 2 * j)
                    sl = pp1[t][:, 1 + sy:9 + sy, 1 + sx:9 + sx, :]
                    acc = sl if acc is None else acc + sl
            h2[(R, S)] = jax.nn.relu(acc + db1[None, None, None, :])

    d2c = d2a_ref[...]
    db2 = db2_ref[...]
    h2p = {k: jnp.pad(v, ((0, 0), (1, 1), (1, 1), (0, 0)))
           for k, v in h2.items()}
    acc48 = None
    for ty in range(4):
        R, apar = ty & 1, ty >> 1
        for tx in range(4):
            S, bpar = tx & 1, tx >> 1
            parts = []
            for i in range(2):
                cy = apar + R - 1 + i
                ry, sy = cy & 1, cy >> 1
                for j in range(2):
                    cx = bpar + S - 1 + j
                    rx, sx = cx & 1, cx >> 1
                    parts.append(h2p[(ry, rx)][:, 1 + sy:9 + sy,
                                               1 + sx:9 + sx, :])
            cat = jnp.concatenate(parts, axis=-1)
            res = _mm(cat.reshape(g * 64, 4 * HID), d2c[ty * 4 + tx])
            acc48 = res if acc48 is None else acc48 + res
    out_ref[...] = (acc48 + db2[None, :]).reshape(g, 8, 8, 48)


def _run_enc(p1p, w1r, b1, w2c, b2, cbt, *, interpret=False):
    grid = (B_TOT // G,)
    full = lambda a: pl.BlockSpec(a.shape, lambda i: (0,) * a.ndim)
    return pl.pallas_call(
        _enc_block,
        grid=grid,
        in_specs=[pl.BlockSpec((G, 4, 8, 8, 48), lambda i: (i, 0, 0, 0, 0)),
                  full(w1r), full(b1), full(w2c), full(b2), full(cbt)],
        out_specs=pl.BlockSpec((G, 64), lambda i: (i, 0)),
        out_shape=jax.ShapeDtypeStruct((B_TOT, 64), jnp.int32),
        interpret=interpret,
    )(p1p, w1r, b1, w2c, b2, cbt)


def _run_gather(cb128, idx_flat):
    mesh = plsc.VectorSubcoreMesh(core_axis_name="c", subcore_axis_name="s")
    return pl.kernel(
        _sc_gather_body,
        out_type=jax.ShapeDtypeStruct((ROWS, 2 * D), jnp.float32),
        mesh=mesh,
        scratch_types=[
            pltpu.VMEM_SHARED((K, 2 * D), jnp.float32),
            pltpu.VMEM((SC_STAGE, 2 * D), jnp.float32),
            pltpu.VMEM((BPW,), jnp.int32),
            pltpu.VMEM((BPW, 2 * D), jnp.float32),
            pltpu.SemaphoreType.DMA,
        ],
    )(cb128, idx_flat)


def _run_dec(q, d1t, db1, d2a, db2t, *, interpret=False):
    grid = (B_TOT // G,)
    full = lambda a: pl.BlockSpec(a.shape, lambda i: (0,) * a.ndim)
    return pl.pallas_call(
        _dec_block,
        grid=grid,
        in_specs=[pl.BlockSpec((G * 64, 2 * D), lambda i: (i, 0)),
                  full(d1t), full(db1), full(d2a), full(db2t)],
        out_specs=pl.BlockSpec((G, 8, 8, 48), lambda i: (i, 0, 0, 0)),
        out_shape=jax.ShapeDtypeStruct((B_TOT, 8, 8, 48), jnp.float32),
        interpret=interpret,
    )(q, d1t, db1, d2a, db2t)


def kernel(x, enc_w1, enc_b1, enc_w2, enc_b2, codebook,
           dec_w1, dec_b1, dec_w2, dec_b2):
    xn = jnp.transpose(x, (0, 2, 3, 1))
    xp = jnp.pad(xn, ((0, 0), (1, 1), (1, 1), (0, 0)))
    p1p = jnp.stack(
        [jnp.concatenate(
            [xp[:, 2 * py + kh:2 * py + kh + 29:4,
                2 * px + kw:2 * px + kw + 29:4, :]
             for kh in range(4) for kw in range(4)], axis=-1)
         for py in range(2) for px in range(2)], axis=1)

    w1r = enc_w1.transpose(2, 3, 1, 0).reshape(48, HID)
    w2k = enc_w2.transpose(2, 3, 1, 0)
    w2c = jnp.stack(
        [jnp.concatenate(
            [w2k[(1 - pr) + 2 * oy, (1 - pc) + 2 * ox]
             for oy in range(2) for ox in range(2)], axis=0)
         for pr in range(2) for pc in range(2)], axis=0)
    d1t = jnp.pad(dec_w1.transpose(1, 2, 3, 0).reshape(D, 16 * HID),
                  ((0, D), (0, 0)))
    d2k = dec_w2.transpose(2, 3, 1, 0)
    d2a = jnp.stack(
        [jnp.pad(
            jnp.concatenate(
                [d2k[(ty & 1) + 2 * i, (tx & 1) + 2 * j]
                 for i in range(2) for j in range(2)], axis=0),
            ((0, 0), (3 * (ty * 4 + tx), 45 - 3 * (ty * 4 + tx))))
         for ty in range(4) for tx in range(4)], axis=0)
    db2t = jnp.tile(dec_b2, 16)

    cb128 = jnp.pad(codebook, ((0, 0), (0, D)))
    idx = _run_enc(p1p, w1r, enc_b1, w2c, enc_b2, codebook.T)
    q = _run_gather(cb128, idx.reshape(ROWS))
    res48 = _run_dec(q, d1t, dec_b1, d2a, db2t)

    st = res48.reshape(B_TOT, 8, 8, 4, 4, 3)
    return st.transpose(0, 5, 1, 3, 2, 4).reshape(B_TOT, 3, 32, 32)

# --- scband reference (transcript-rebuilt; emitter-appended) ---
"""Pipeline reference for scband-mini-imagenet-vqvae-47588237640101 (READ-ONLY COPY).

The authoritative reference and input builder live on the scoring server;
editing this copy changes nothing except your own understanding.
"""

import jax, jax.numpy as jnp
import numpy as np

B, K, D, HID = 256, 1024, 64, 128
DN = ('NCHW', 'OIHW', 'NCHW')


def setup_inputs(seed: int = 0) -> dict:
    key = jax.random.key(seed)
    ks = jax.random.split(key, 10)
    inp = {
        'x': jax.random.normal(ks[0], (B, 3, 32, 32), dtype=jnp.float32),
        'enc_w1': jax.random.normal(ks[1], (HID, 3, 4, 4), dtype=jnp.float32) * 0.05,
        'enc_b1': jnp.zeros((HID,), dtype=jnp.float32),
        'enc_w2': jax.random.normal(ks[2], (D, HID, 4, 4), dtype=jnp.float32) * 0.05,
        'enc_b2': jnp.zeros((D,), dtype=jnp.float32),
        'codebook': jax.random.normal(ks[3], (K, D), dtype=jnp.float32),
        'dec_w1': jax.random.normal(ks[4], (HID, D, 4, 4), dtype=jnp.float32) * 0.05,
        'dec_b1': jnp.zeros((HID,), dtype=jnp.float32),
        'dec_w2': jax.random.normal(ks[5], (3, HID, 4, 4), dtype=jnp.float32) * 0.05,
        'dec_b2': jnp.zeros((3,), dtype=jnp.float32),
    }
    return inp


def _encode(x, w1, b1, w2, b2):
    h = jax.lax.conv_general_dilated(x, w1, (2, 2), 'SAME', dimension_numbers=DN)
    h = jax.nn.relu(h + b1[None, :, None, None])
    h = jax.lax.conv_general_dilated(h, w2, (2, 2), 'SAME', dimension_numbers=DN)
    return h + b2[None, :, None, None]


def _quantize(e_bhwc, codebook):
    # e_bhwc: [B, H, W, D]; nearest-codebook quantization + straight-through
    shp = e_bhwc.shape
    flat = e_bhwc.reshape(-1, shp[-1])
    dist = (jnp.sum(flat * flat, axis=1, keepdims=True)
            - 2.0 * flat @ codebook.T
            + jnp.sum(codebook * codebook, axis=1)[None, :])
    idx = jnp.argmin(dist, axis=1)
    q = jnp.take(codebook, idx, axis=0).reshape(shp)
    # straight-through estimator (EMA codebook quantize)
    return e_bhwc + jax.lax.stop_gradient(q - e_bhwc)


def _decode(q, w1, b1, w2, b2):
    h = jax.lax.conv_transpose(q, w1, (2, 2), 'SAME', dimension_numbers=DN)
    h = jax.nn.relu(h + b1[None, :, None, None])
    h = jax.lax.conv_transpose(h, w2, (2, 2), 'SAME', dimension_numbers=DN)
    return h + b2[None, :, None, None]


def reference(x, enc_w1, enc_b1, enc_w2, enc_b2, codebook, dec_w1, dec_b1, dec_w2, dec_b2):
    enc = _encode(x, enc_w1, enc_b1, enc_w2, enc_b2)   # [B, D, 8, 8]
    enc = jnp.transpose(enc, (0, 2, 3, 1))             # [B, 8, 8, D]
    q = _quantize(enc, codebook)
    q = jnp.transpose(q, (0, 3, 1, 2))                 # [B, D, 8, 8]
    return _decode(q, dec_w1, dec_b1, dec_w2, dec_b2)  # [B, 3, 32, 32]

if __name__ == "__main__":
    import jax
    _d = setup_inputs()
    print(jax.jit(kernel)(*tuple(_d.values())))

</pallas_src>

<mosaic_0001>
#map = affine_map<(d0, d1) -> (0, 0)>
#map1 = affine_map<(d0, d1) -> (0)>
module attributes {stable_mosaic.version = 14 : i64} {
  func.func @_sc_gather_body(%arg0: i32, %arg1: i32, %arg2: memref<1024x128xf32, #tpu.memory_space<hbm>>, %arg3: memref<16384xi32, #tpu.memory_space<hbm>>, %arg4: memref<16384x128xf32, #tpu.memory_space<hbm>>, %arg5: memref<1024x128xf32, #tpu.memory_space<vmem_shared>>, %arg6: memref<64x128xf32, #tpu.memory_space<vmem>>, %arg7: memref<512xi32, #tpu.memory_space<vmem>>, %arg8: memref<512x128xf32, #tpu.memory_space<vmem>>, %arg9: memref<!tpu.dma_semaphore, #tpu.memory_space<semaphore_mem>>) attributes {dimension_semantics = [#tpu.dimension_semantics<core_parallel>, #tpu.dimension_semantics<subcore_parallel>], iteration_bounds = array<i64: 2, 16>, scalar_prefetch = 0 : i64, scratch_operands = 5 : i64, tpu.core_type = #tpu.core_type<sc_vector_subcore>, window_params = [{transform_indices = #map}, {transform_indices = #map1}, {transform_indices = #map}]} {
    %mul3A = arith.constant 2 : i32
    %mul3A_0 = arith.muli %arg1, %mul3A : i32
    %add3A = arith.addi %mul3A_0, %arg0 : i32
    %mul3A_1 = arith.constant 64 : i32
    %mul3A_2 = arith.muli %arg1, %mul3A_1 : i32
    "tpu.region"() ({
      %run_scoped3A = tpu.sem_alloc : memref<!tpu.dma_semaphore, #tpu.memory_space<semaphore_mem>>
      %dma_start3A_11 = arith.constant 0 : i32
      %dma_start3A_12 = tpu.memref_slice %arg2[%mul3A_2, %dma_start3A_11] : memref<1024x128xf32, #tpu.memory_space<hbm>> -> memref<64x128xf32, #tpu.memory_space<hbm>>
      %dma_start3A_13 = arith.constant 0 : i32
      %dma_start3A_14 = tpu.memref_slice %arg2[%mul3A_2, %dma_start3A_13] : memref<1024x128xf32, #tpu.memory_space<hbm>> -> memref<64x128xf32, #tpu.memory_space<hbm>>
      tpu.enqueue_dma source(%dma_start3A_14 : memref<64x128xf32, #tpu.memory_space<hbm>>) target(%arg6 : memref<64x128xf32, #tpu.memory_space<vmem>>) target_semaphore(%run_scoped3A : memref<!tpu.dma_semaphore, #tpu.memory_space<semaphore_mem>>)
      %dma_wait3A_15 = arith.constant 0 : i32
      %dma_wait3A_16 = tpu.memref_slice %arg2[%mul3A_2, %dma_wait3A_15] : memref<1024x128xf32, #tpu.memory_space<hbm>> -> memref<64x128xf32, #tpu.memory_space<hbm>>
      %dma_wait3A_17 = arith.constant 0 : i32
      %dma_wait3A_18 = tpu.memref_slice %arg2[%mul3A_2, %dma_wait3A_17] : memref<1024x128xf32, #tpu.memory_space<hbm>> -> memref<64x128xf32, #tpu.memory_space<hbm>>
      tpu.wait_dma2 semaphore(%run_scoped3A : memref<!tpu.dma_semaphore, #tpu.memory_space<semaphore_mem>>) src(%dma_wait3A_18 : memref<64x128xf32, #tpu.memory_space<hbm>>) dst(%arg6 : memref<64x128xf32, #tpu.memory_space<vmem>>)
      tpu.yield
    }) : () -> ()
    %mul3A_3 = arith.constant 64 : i32
    %mul3A_4 = arith.muli %arg1, %mul3A_3 : i32
    "tpu.region"() ({
      %run_scoped3A = tpu.sem_alloc : memref<!tpu.dma_semaphore, #tpu.memory_space<semaphore_mem>>
      %dma_start3A_11 = arith.constant 0 : i32
      %dma_start3A_12 = tpu.memref_slice %arg5[%mul3A_4, %dma_start3A_11] : memref<1024x128xf32, #tpu.memory_space<vmem_shared>> -> memref<64x128xf32, #tpu.memory_space<vmem_shared>>
      %dma_start3A_13 = arith.constant 0 : i32
      %dma_start3A_14 = tpu.memref_slice %arg5[%mul3A_4, %dma_start3A_13] : memref<1024x128xf32, #tpu.memory_space<vmem_shared>> -> memref<64x128xf32, #tpu.memory_space<vmem_shared>>
      tpu.enqueue_dma source(%arg6 : memref<64x128xf32, #tpu.memory_space<vmem>>) target(%dma_start3A_14 : memref<64x128xf32, #tpu.memory_space<vmem_shared>>) target_semaphore(%run_scoped3A : memref<!tpu.dma_semaphore, #tpu.memory_space<semaphore_mem>>)
      %dma_wait3A_15 = arith.constant 0 : i32
      %dma_wait3A_16 = tpu.memref_slice %arg5[%mul3A_4, %dma_wait3A_15] : memref<1024x128xf32, #tpu.memory_space<vmem_shared>> -> memref<64x128xf32, #tpu.memory_space<vmem_shared>>
      %dma_wait3A_17 = arith.constant 0 : i32
      %dma_wait3A_18 = tpu.memref_slice %arg5[%mul3A_4, %dma_wait3A_17] : memref<1024x128xf32, #tpu.memory_space<vmem_shared>> -> memref<64x128xf32, #tpu.memory_space<vmem_shared>>
      tpu.wait_dma2 semaphore(%run_scoped3A : memref<!tpu.dma_semaphore, #tpu.memory_space<semaphore_mem>>) src(%arg6 : memref<64x128xf32, #tpu.memory_space<vmem>>) dst(%dma_wait3A_18 : memref<64x128xf32, #tpu.memory_space<vmem_shared>>)
      tpu.yield
    }) : () -> ()
    %barrier3A = arith.constant 0 : index
    tpu.barrier barrier_id(%barrier3A)
    %mul3A_5 = arith.constant 512 : i32
    %mul3A_6 = arith.muli %add3A, %mul3A_5 : i32
    "tpu.region"() ({
      %run_scoped3A = tpu.sem_alloc : memref<!tpu.dma_semaphore, #tpu.memory_space<semaphore_mem>>
      %dma_start3A_11 = tpu.memref_slice %arg3[%mul3A_6] : memref<16384xi32, #tpu.memory_space<hbm>> -> memref<512xi32, #tpu.memory_space<hbm>>
      %dma_start3A_12 = tpu.memref_slice %arg3[%mul3A_6] : memref<16384xi32, #tpu.memory_space<hbm>> -> memref<512xi32, #tpu.memory_space<hbm>>
      tpu.enqueue_dma source(%dma_start3A_12 : memref<512xi32, #tpu.memory_space<hbm>>) target(%arg7 : memref<512xi32, #tpu.memory_space<vmem>>) target_semaphore(%run_scoped3A : memref<!tpu.dma_semaphore, #tpu.memory_space<semaphore_mem>>)
      %dma_wait3A_13 = tpu.memref_slice %arg3[%mul3A_6] : memref<16384xi32, #tpu.memory_space<hbm>> -> memref<512xi32, #tpu.memory_space<hbm>>
      %dma_wait3A_14 = tpu.memref_slice %arg3[%mul3A_6] : memref<16384xi32, #tpu.memory_space<hbm>> -> memref<512xi32, #tpu.memory_space<hbm>>
      tpu.wait_dma2 semaphore(%run_scoped3A : memref<!tpu.dma_semaphore, #tpu.memory_space<semaphore_mem>>) src(%dma_wait3A_14 : memref<512xi32, #tpu.memory_space<hbm>>) dst(%arg7 : memref<512xi32, #tpu.memory_space<vmem>>)
      tpu.yield
    }) : () -> ()
    %dma_start3A = arith.constant 0 : i32
    %dma_start3A_7 = arith.constant 0 : i32
    %dma_start3A_8 = tpu.memref_slice %arg5[%dma_start3A, %dma_start3A_7] : memref<1024x128xf32, #tpu.memory_space<vmem_shared>> -> memref<1024x128xf32, #tpu.memory_space<vmem_shared>>
    tpu.enqueue_indirect_dma source(%dma_start3A_8 : memref<1024x128xf32, #tpu.memory_space<vmem_shared>>) target(%arg8 : memref<512x128xf32, #tpu.memory_space<vmem>>) offsets(%arg7 : memref<512xi32, #tpu.memory_space<vmem>>) semaphore(%arg9 : memref<!tpu.dma_semaphore, #tpu.memory_space<semaphore_mem>>)
    %dma_wait3A = arith.constant 0 : i32
    %dma_wait3A_9 = arith.constant 0 : i32
    %dma_wait3A_10 = tpu.memref_slice %arg5[%dma_wait3A, %dma_wait3A_9] : memref<1024x128xf32, #tpu.memory_space<vmem_shared>> -> memref<1024x128xf32, #tpu.memory_space<vmem_shared>>
    tpu.wait_indirect_dma semaphore(%arg9 : memref<!tpu.dma_semaphore, #tpu.memory_space<semaphore_mem>>) src(%dma_wait3A_10 : memref<1024x128xf32, #tpu.memory_space<vmem_shared>>) dst(%arg8 : memref<512x128xf32, #tpu.memory_space<vmem>>)
    "tpu.region"() ({
      %run_scoped3A = tpu.sem_alloc : memref<!tpu.dma_semaphore, #tpu.memory_space<semaphore_mem>>
      %dma_start3A_11 = arith.constant 0 : i32
      %dma_start3A_12 = tpu.memref_slice %arg4[%mul3A_6, %dma_start3A_11] : memref<16384x128xf32, #tpu.memory_space<hbm>> -> memref<512x128xf32, #tpu.memory_space<hbm>>
      %dma_start3A_13 = arith.constant 0 : i32
      %dma_start3A_14 = tpu.memref_slice %arg4[%mul3A_6, %dma_start3A_13] : memref<16384x128xf32, #tpu.memory_space<hbm>> -> memref<512x128xf32, #tpu.memory_space<hbm>>
      tpu.enqueue_dma source(%arg8 : memref<512x128xf32, #tpu.memory_space<vmem>>) target(%dma_start3A_14 : memref<512x128xf32, #tpu.memory_space<hbm>>) target_semaphore(%run_scoped3A : memref<!tpu.dma_semaphore, #tpu.memory_space<semaphore_mem>>)
      %dma_wait3A_15 = arith.constant 0 : i32
      %dma_wait3A_16 = tpu.memref_slice %arg4[%mul3A_6, %dma_wait3A_15] : memref<16384x128xf32, #tpu.memory_space<hbm>> -> memref<512x128xf32, #tpu.memory_space<hbm>>
      %dma_wait3A_17 = arith.constant 0 : i32
      %dma_wait3A_18 = tpu.memref_slice %arg4[%mul3A_6, %dma_wait3A_17] : memref<16384x128xf32, #tpu.memory_space<hbm>> -> memref<512x128xf32, #tpu.memory_space<hbm>>
      tpu.wait_dma2 semaphore(%run_scoped3A : memref<!tpu.dma_semaphore, #tpu.memory_space<semaphore_mem>>) src(%arg8 : memref<512x128xf32, #tpu.memory_space<vmem>>) dst(%dma_wait3A_18 : memref<512x128xf32, #tpu.memory_space<hbm>>)
      tpu.yield
    }) : () -> ()
    return
  }
}

module attributes {stable_mosaic.version = 14 : i64} {
  func.func @_enc_block(%arg0: i32, %arg1: memref<32x4x8x8x48xf32, #tpu.memory_space<vmem>>, %arg2: memref<48x128xf32, #tpu.memory_space<vmem>>, %arg3: memref<128xf32, #tpu.memory_space<vmem>>, %arg4: memref<4x512x64xf32, #tpu.memory_space<vmem>>, %arg5: memref<64xf32, #tpu.memory_space<vmem>>, %arg6: memref<64x1024xf32, #tpu.memory_space<vmem>>, %arg7: memref<32x64xi32, #tpu.memory_space<vmem>>) attributes {dimension_semantics = [#tpu.dimension_semantics<arbitrary>], iteration_bounds = array<i64: 8>, scalar_prefetch = 0 : i64, scratch_operands = 0 : i64, tpu.core_type = #tpu.core_type<tc>, window_params = [{transform_indices = @transform_0, window_bounds = array<i64: 32, 4, 8, 8, 48>}, {pipeline_mode = #tpu.pipeline_mode<synchronous>, transform_indices = @transform_1, window_bounds = array<i64: 48, 128>}, {pipeline_mode = #tpu.pipeline_mode<synchronous>, transform_indices = @transform_2, window_bounds = array<i64: 128>}, {pipeline_mode = #tpu.pipeline_mode<synchronous>, transform_indices = @transform_3, window_bounds = array<i64: 4, 512, 64>}, {pipeline_mode = #tpu.pipeline_mode<synchronous>, transform_indices = @transform_4, window_bounds = array<i64: 64>}, {pipeline_mode = #tpu.pipeline_mode<synchronous>, transform_indices = @transform_5, window_bounds = array<i64: 64, 1024>}, {transform_indices = @transform_6, window_bounds = array<i64: 32, 64>}]} {
    %get3A = arith.constant 0 : index
    %get3A_0 = arith.constant 0 : index
    %get3A_1 = arith.constant 0 : index
    %get3A_2 = arith.constant 0 : index
    %get3A_3 = arith.constant 0 : index
    %get3A_4 = vector.load %arg1[%get3A, %get3A_0, %get3A_1, %get3A_2, %get3A_3] : memref<32x4x8x8x48xf32, #tpu.memory_space<vmem>>, vector<32x4x8x8x48xf32>
    %reshape3A = vector.shape_cast %get3A_4 : vector<32x4x8x8x48xf32> to vector<8192x48xf32>
    %get3A_5 = arith.constant 0 : index
    %get3A_6 = arith.constant 0 : index
    %get3A_7 = vector.load %arg2[%get3A_5, %get3A_6] : memref<48x128xf32, #tpu.memory_space<vmem>>, vector<48x128xf32>
    %dot_general3A = arith.constant dense<0.000000e+00> : vector<8192x128xf32>
    %dot_general3A_8 = tpu.matmul %reshape3A, %get3A_7, %dot_general3A {dimension_numbers = #tpu.dot_dimension_numbers<[1], [0], [0], [1], [0, 0, 1, 1], [], []>, transpose_lhs_hint = false} : vector<8192x48xf32>, vector<48x128xf32>, vector<8192x128xf32> -> vector<8192x128xf32>
    %get3A_9 = arith.constant 0 : index
    %get3A_10 = vector.load %arg3[%get3A_9] : memref<128xf32, #tpu.memory_space<vmem>>, vector<128xf32>
    %broadcast_in_dim3A = vector.shape_cast %get3A_10 : vector<128xf32> to vector<1x128xf32>
    %add3A = vector.broadcast %broadcast_in_dim3A : vector<1x128xf32> to vector<8192x128xf32>
    %add3A_11 = arith.addf %dot_general3A_8, %add3A : vector<8192x128xf32>
    %max3A = arith.constant 0.000000e+00 : f32
    %max3A_12 = vector.broadcast %max3A : f32 to vector<8192x128xf32>
    %max3A_13 = arith.maximumf %add3A_11, %max3A_12 : vector<8192x128xf32>
    %reshape3A_14 = vector.shape_cast %max3A_13 : vector<8192x128xf32> to vector<32x4x8x8x128xf32>
    %slice3A = vector.extract_strided_slice %reshape3A_14 {offsets = [0, 0, 0, 0, 0], sizes = [32, 1, 8, 8, 128], strides = [1, 1, 1, 1, 1]} : vector<32x4x8x8x128xf32> to vector<32x1x8x8x128xf32>
    %squeeze3A = vector.shape_cast %slice3A : vector<32x1x8x8x128xf32> to vector<32x8x8x128xf32>
    %jit3A = arith.constant 0 : i32
    %convert_element_type3A = arith.sitofp %jit3A : i32 to f32
    %pad3A = vector.broadcast %convert_element_type3A : f32 to vector<32x1x8x128xf32>
    %pad3A_15 = tpu.concatenate %squeeze3A, %pad3A in 1 : vector<32x8x8x128xf32>, vector<32x1x8x128xf32> -> vector<32x9x8x128xf32>
    %pad3A_16 = vector.broadcast %convert_element_type3A : f32 to vector<32x9x1x128xf32>
    %pad3A_17 = tpu.concatenate %pad3A_15, %pad3A_16 in 2 : vector<32x9x8x128xf32>, vector<32x9x1x128xf32> -> vector<32x9x9x128xf32>
    %slice3A_18 = vector.extract_strided_slice %reshape3A_14 {offsets = [0, 1, 0, 0, 0], sizes = [32, 1, 8, 8, 128], strides = [1, 1, 1, 1, 1]} : vector<32x4x8x8x128xf32> to vector<32x1x8x8x128xf32>
    %squeeze3A_19 = vector.shape_cast %slice3A_18 : vector<32x1x8x8x128xf32> to vector<32x8x8x128xf32>
    %jit3A_20 = arith.constant 0 : i32
    %convert_element_type3A_21 = arith.sitofp %jit3A_20 : i32 to f32
    %pad3A_22 = vector.broadcast %convert_element_type3A_21 : f32 to vector<32x1x8x128xf32>
    %pad3A_23 = tpu.concatenate %squeeze3A_19, %pad3A_22 in 1 : vector<32x8x8x128xf32>, vector<32x1x8x128xf32> -> vector<32x9x8x128xf32>
    %pad3A_24 = vector.broadcast %convert_element_type3A_21 : f32 to vector<32x9x1x128xf32>
    %pad3A_25 = tpu.concatenate %pad3A_24, %pad3A_23 in 2 : vector<32x9x1x128xf32>, vector<32x9x8x128xf32> -> vector<32x9x9x128xf32>
    %slice3A_26 = vector.extract_strided_slice %reshape3A_14 {offsets = [0, 2, 0, 0, 0], sizes = [32, 1, 8, 8, 128], strides = [1, 1, 1, 1, 1]} : vector<32x4x8x8x128xf32> to vector<32x1x8x8x128xf32>
    %squeeze3A_27 = vector.shape_cast %slice3A_26 : vector<32x1x8x8x128xf32> to vector<32x8x8x128xf32>
    %jit3A_28 = arith.constant 0 : i32
    %convert_element_type3A_29 = arith.sitofp %jit3A_28 : i32 to f32
    %pad3A_30 = vector.broadcast %convert_element_type3A_29 : f32 to vector<32x1x8x128xf32>
    %pad3A_31 = tpu.concatenate %pad3A_30, %squeeze3A_27 in 1 : vector<32x1x8x128xf32>, vector<32x8x8x128xf32> -> vector<32x9x8x128xf32>
    %pad3A_32 = vector.broadcast %convert_element_type3A_29 : f32 to vector<32x9x1x128xf32>
    %pad3A_33 = tpu.concatenate %pad3A_31, %pad3A_32 in 2 : vector<32x9x8x128xf32>, vector<32x9x1x128xf32> -> vector<32x9x9x128xf32>
    %slice3A_34 = vector.extract_strided_slice %reshape3A_14 {offsets = [0, 3, 0, 0, 0], sizes = [32, 1, 8, 8, 128], strides = [1, 1, 1, 1, 1]} : vector<32x4x8x8x128xf32> to vector<32x1x8x8x128xf32>
    %squeeze3A_35 = vector.shape_cast %slice3A_34 : vector<32x1x8x8x128xf32> to vector<32x8x8x128xf32>
    %jit3A_36 = arith.constant 0 : i32
    %convert_element_type3A_37 = arith.sitofp %jit3A_36 : i32 to f32
    %pad3A_38 = vector.broadcast %convert_element_type3A_37 : f32 to vector<32x1x8x128xf32>
    %pad3A_39 = tpu.concatenate %pad3A_38, %squeeze3A_35 in 1 : vector<32x1x8x128xf32>, vector<32x8x8x128xf32> -> vector<32x9x8x128xf32>
    %pad3A_40 = vector.broadcast %convert_element_type3A_37 : f32 to vector<32x9x1x128xf32>
    %pad3A_41 = tpu.concatenate %pad3A_40, %pad3A_39 in 2 : vector<32x9x1x128xf32>, vector<32x9x8x128xf32> -> vector<32x9x9x128xf32>
    %get3A_42 = arith.constant 0 : index
    %get3A_43 = arith.constant 0 : index
    %get3A_44 = arith.constant 0 : index
    %get3A_45 = vector.load %arg4[%get3A_42, %get3A_43, %get3A_44] : memref<4x512x64xf32, #tpu.memory_space<vmem>>, vector<4x512x64xf32>
    %broadcast_in_dim3A_46 = arith.constant 0.000000e+00 : f32
    %broadcast_in_dim3A_47 = vector.broadcast %broadcast_in_dim3A_46 : f32 to vector<2048x64xf32>
    %slice3A_48 = vector.extract_strided_slice %pad3A_17 {offsets = [0, 0, 0, 0], sizes = [32, 8, 8, 128], strides = [1, 1, 1, 1]} : vector<32x9x9x128xf32> to vector<32x8x8x128xf32>
    %slice3A_49 = vector.extract_strided_slice %pad3A_17 {offsets = [0, 0, 1, 0], sizes = [32, 8, 8, 128], strides = [1, 1, 1, 1]} : vector<32x9x9x128xf32> to vector<32x8x8x128xf32>
    %slice3A_50 = vector.extract_strided_slice %pad3A_17 {offsets = [0, 1, 0, 0], sizes = [32, 8, 8, 128], strides = [1, 1, 1, 1]} : vector<32x9x9x128xf32> to vector<32x8x8x128xf32>
    %slice3A_51 = vector.extract_strided_slice %pad3A_17 {offsets = [0, 1, 1, 0], sizes = [32, 8, 8, 128], strides = [1, 1, 1, 1]} : vector<32x9x9x128xf32> to vector<32x8x8x128xf32>
    %concatenate3A = tpu.concatenate %slice3A_48, %slice3A_49, %slice3A_50, %slice3A_51 in 3 : vector<32x8x8x128xf32>, vector<32x8x8x128xf32>, vector<32x8x8x128xf32>, vector<32x8x8x128xf32> -> vector<32x8x8x512xf32>
    %reshape3A_52 = vector.shape_cast %concatenate3A : vector<32x8x8x512xf32> to vector<2048x512xf32>
    %slice3A_53 = vector.extract_strided_slice %get3A_45 {offsets = [0, 0, 0], sizes = [1, 512, 64], strides = [1, 1, 1]} : vector<4x512x64xf32> to vector<1x512x64xf32>
    %squeeze3A_54 = vector.shape_cast %slice3A_53 : vector<1x512x64xf32> to vector<512x64xf32>
    %dot_general3A_55 = arith.constant dense<0.000000e+00> : vector<2048x64xf32>
    %dot_general3A_56 = tpu.matmul %reshape3A_52, %squeeze3A_54, %dot_general3A_55 {dimension_numbers = #tpu.dot_dimension_numbers<[1], [0], [0], [1], [0, 0, 1, 1], [], []>, transpose_lhs_hint = false} : vector<2048x512xf32>, vector<512x64xf32>, vector<2048x64xf32> -> vector<2048x64xf32>
    %add3A_57 = arith.addf %broadcast_in_dim3A_47, %dot_general3A_56 : vector<2048x64xf32>
    %slice3A_58 = vector.extract_strided_slice %pad3A_25 {offsets = [0, 0, 0, 0], sizes = [32, 8, 8, 128], strides = [1, 1, 1, 1]} : vector<32x9x9x128xf32> to vector<32x8x8x128xf32>
    %slice3A_59 = vector.extract_strided_slice %pad3A_25 {offsets = [0, 0, 1, 0], sizes = [32, 8, 8, 128], strides = [1, 1, 1, 1]} : vector<32x9x9x128xf32> to vector<32x8x8x128xf32>
    %slice3A_60 = vector.extract_strided_slice %pad3A_25 {offsets = [0, 1, 0, 0], sizes = [32, 8, 8, 128], strides = [1, 1, 1, 1]} : vector<32x9x9x128xf32> to vector<32x8x8x128xf32>
    %slice3A_61 = vector.extract_strided_slice %pad3A_25 {offsets = [0, 1, 1, 0], sizes = [32, 8, 8, 128], strides = [1, 1, 1, 1]} : vector<32x9x9x128xf32> to vector<32x8x8x128xf32>
    %concatenate3A_62 = tpu.concatenate %slice3A_58, %slice3A_59, %slice3A_60, %slice3A_61 in 3 : vector<32x8x8x128xf32>, vector<32x8x8x128xf32>, vector<32x8x8x128xf32>, vector<32x8x8x128xf32> -> vector<32x8x8x512xf32>
    %reshape3A_63 = vector.shape_cast %concatenate3A_62 : vector<32x8x8x512xf32> to vector<2048x512xf32>
    %slice3A_64 = vector.extract_strided_slice %get3A_45 {offsets = [1, 0, 0], sizes = [1, 512, 64], strides = [1, 1, 1]} : vector<4x512x64xf32> to vector<1x512x64xf32>
    %squeeze3A_65 = vector.shape_cast %slice3A_64 : vector<1x512x64xf32> to vector<512x64xf32>
    %dot_general3A_66 = arith.constant dense<0.000000e+00> : vector<2048x64xf32>
    %dot_general3A_67 = tpu.matmul %reshape3A_63, %squeeze3A_65, %dot_general3A_66 {dimension_numbers = #tpu.dot_dimension_numbers<[1], [0], [0], [1], [0, 0, 1, 1], [], []>, transpose_lhs_hint = false} : vector<2048x512xf32>, vector<512x64xf32>, vector<2048x64xf32> -> vector<2048x64xf32>
    %add3A_68 = arith.addf %add3A_57, %dot_general3A_67 : vector<2048x64xf32>
    %slice3A_69 = vector.extract_strided_slice %pad3A_33 {offsets = [0, 0, 0, 0], sizes = [32, 8, 8, 128], strides = [1, 1, 1, 1]} : vector<32x9x9x128xf32> to vector<32x8x8x128xf32>
    %slice3A_70 = vector.extract_strided_slice %pad3A_33 {offsets = [0, 0, 1, 0], sizes = [32, 8, 8, 128], strides = [1, 1, 1, 1]} : vector<32x9x9x128xf32> to vector<32x8x8x128xf32>
    %slice3A_71 = vector.extract_strided_slice %pad3A_33 {offsets = [0, 1, 0, 0], sizes = [32, 8, 8, 128], strides = [1, 1, 1, 1]} : vector<32x9x9x128xf32> to vector<32x8x8x128xf32>
    %slice3A_72 = vector.extract_strided_slice %pad3A_33 {offsets = [0, 1, 1, 0], sizes = [32, 8, 8, 128], strides = [1, 1, 1, 1]} : vector<32x9x9x128xf32> to vector<32x8x8x128xf32>
    %concatenate3A_73 = tpu.concatenate %slice3A_69, %slice3A_70, %slice3A_71, %slice3A_72 in 3 : vector<32x8x8x128xf32>, vector<32x8x8x128xf32>, vector<32x8x8x128xf32>, vector<32x8x8x128xf32> -> vector<32x8x8x512xf32>
    %reshape3A_74 = vector.shape_cast %concatenate3A_73 : vector<32x8x8x512xf32> to vector<2048x512xf32>
    %slice3A_75 = vector.extract_strided_slice %get3A_45 {offsets = [2, 0, 0], sizes = [1, 512, 64], strides = [1, 1, 1]} : vector<4x512x64xf32> to vector<1x512x64xf32>
    %squeeze3A_76 = vector.shape_cast %slice3A_75 : vector<1x512x64xf32> to vector<512x64xf32>
    %dot_general3A_77 = arith.constant dense<0.000000e+00> : vector<2048x64xf32>
    %dot_general3A_78 = tpu.matmul %reshape3A_74, %squeeze3A_76, %dot_general3A_77 {dimension_numbers = #tpu.dot_dimension_numbers<[1], [0], [0], [1], [0, 0, 1, 1], [], []>, transpose_lhs_hint = false} : vector<2048x512xf32>, vector<512x64xf32>, vector<2048x64xf32> -> vector<2048x64xf32>
    %add3A_79 = arith.addf %add3A_68, %dot_general3A_78 : vector<2048x64xf32>
    %slice3A_80 = vector.extract_strided_slice %pad3A_41 {offsets = [0, 0, 0, 0], sizes = [32, 8, 8, 128], strides = [1, 1, 1, 1]} : vector<32x9x9x128xf32> to vector<32x8x8x128xf32>
    %slice3A_81 = vector.extract_strided_slice %pad3A_41 {offsets = [0, 0, 1, 0], sizes = [32, 8, 8, 128], strides = [1, 1, 1, 1]} : vector<32x9x9x128xf32> to vector<32x8x8x128xf32>
    %slice3A_82 = vector.extract_strided_slice %pad3A_41 {offsets = [0, 1, 0, 0], sizes = [32, 8, 8, 128], strides = [1, 1, 1, 1]} : vector<32x9x9x128xf32> to vector<32x8x8x128xf32>
    %slice3A_83 = vector.extract_strided_slice %pad3A_41 {offsets = [0, 1, 1, 0], sizes = [32, 8, 8, 128], strides = [1, 1, 1, 1]} : vector<32x9x9x128xf32> to vector<32x8x8x128xf32>
    %concatenate3A_84 = tpu.concatenate %slice3A_80, %slice3A_81, %slice3A_82, %slice3A_83 in 3 : vector<32x8x8x128xf32>, vector<32x8x8x128xf32>, vector<32x8x8x128xf32>, vector<32x8x8x128xf32> -> vector<32x8x8x512xf32>
    %reshape3A_85 = vector.shape_cast %concatenate3A_84 : vector<32x8x8x512xf32> to vector<2048x512xf32>
    %slice3A_86 = vector.extract_strided_slice %get3A_45 {offsets = [3, 0, 0], sizes = [1, 512, 64], strides = [1, 1, 1]} : vector<4x512x64xf32> to vector<1x512x64xf32>
    %squeeze3A_87 = vector.shape_cast %slice3A_86 : vector<1x512x64xf32> to vector<512x64xf32>
    %dot_general3A_88 = arith.constant dense<0.000000e+00> : vector<2048x64xf32>
    %dot_general3A_89 = tpu.matmul %reshape3A_85, %squeeze3A_87, %dot_general3A_88 {dimension_numbers = #tpu.dot_dimension_numbers<[1], [0], [0], [1], [0, 0, 1, 1], [], []>, transpose_lhs_hint = false} : vector<2048x512xf32>, vector<512x64xf32>, vector<2048x64xf32> -> vector<2048x64xf32>
    %add3A_90 = arith.addf %add3A_79, %dot_general3A_89 : vector<2048x64xf32>
    %get3A_91 = arith.constant 0 : index
    %get3A_92 = vector.load %arg5[%get3A_91] : memref<64xf32, #tpu.memory_space<vmem>>, vector<64xf32>
    %broadcast_in_dim3A_93 = vector.shape_cast %get3A_92 : vector<64xf32> to vector<1x64xf32>
    %add3A_94 = vector.broadcast %broadcast_in_dim3A_93 : vector<1x64xf32> to vector<2048x64xf32>
    %add3A_95 = arith.addf %add3A_90, %add3A_94 : vector<2048x64xf32>
    %get3A_96 = arith.constant 0 : index
    %get3A_97 = arith.constant 0 : index
    %get3A_98 = vector.load %arg6[%get3A_96, %get3A_97] : memref<64x1024xf32, #tpu.memory_space<vmem>>, vector<64x1024xf32>
    %mul3A = arith.mulf %get3A_98, %get3A_98 : vector<64x1024xf32>
    %reduce_sum3A = arith.constant dense<0.000000e+00> : vector<1024xf32>
    %reduce_sum3A_99 = vector.multi_reduction <add>, %mul3A, %reduce_sum3A [0] : vector<64x1024xf32> to vector<1024xf32>
    %broadcast_in_dim3A_100 = vector.shape_cast %reduce_sum3A_99 : vector<1024xf32> to vector<1x1024xf32>
    %dot_general3A_101 = arith.constant dense<0.000000e+00> : vector<2048x1024xf32>
    %dot_general3A_102 = tpu.matmul %add3A_95, %get3A_98, %dot_general3A_101 {dimension_numbers = #tpu.dot_dimension_numbers<[1], [0], [0], [1], [0, 0, 1, 1], [], []>, transpose_lhs_hint = false} : vector<2048x64xf32>, vector<64x1024xf32>, vector<2048x1024xf32> -> vector<2048x1024xf32>
    %mul3A_103 = arith.constant 2.000000e+00 : f32
    %mul3A_104 = vector.broadcast %mul3A_103 : f32 to vector<2048x1024xf32>
    %mul3A_105 = arith.mulf %mul3A_104, %dot_general3A_102 : vector<2048x1024xf32>
    %sub3A = vector.broadcast %broadcast_in_dim3A_100 : vector<1x1024xf32> to vector<2048x1024xf32>
    %sub3A_106 = arith.subf %sub3A, %mul3A_105 : vector<2048x1024xf32>
    %argmin3A = tpu.reduce_index %sub3A_106 {axis = 1 : i32, kind = #tpu.reduction_kind<arg_min>} : vector<2048x1024xf32> -> vector<2048xi32>
    %reshape3A_107 = vector.shape_cast %argmin3A : vector<2048xi32> to vector<32x64xi32>
    %swap3A = arith.constant 0 : index
    %swap3A_108 = arith.constant 0 : index
    %swap3A_109 = vector.load %arg7[%swap3A, %swap3A_108] : memref<32x64xi32, #tpu.memory_space<vmem>>, vector<32x64xi32>
    tpu.vector_store %arg7[%swap3A, %swap3A_108], %reshape3A_107 {strides = array<i32>} : memref<32x64xi32, #tpu.memory_space<vmem>>, vector<32x64xi32>,
    return
  }
  func.func @transform_0(%arg0: i32) -> (i32, i32, i32, i32, i32) {
    %c0_i32 = arith.constant 0 : i32
    %c0_i32_0 = arith.constant 0 : i32
    %c0_i32_1 = arith.constant 0 : i32
    %c0_i32_2 = arith.constant 0 : i32
    %c0_i32_3 = arith.constant 0 : i32
    return %arg0, %c0_i32, %c0_i32_0, %c0_i32_1, %c0_i32_2 : i32, i32, i32, i32, i32
  }
  func.func @transform_1(%arg0: i32) -> (i32, i32) {
    %c0_i32 = arith.constant 0 : i32
    %c0_i32_0 = arith.constant 0 : i32
    %c0_i32_1 = arith.constant 0 : i32
    return %c0_i32, %c0_i32_0 : i32, i32
  }
  func.func @transform_2(%arg0: i32) -> i32 {
    %c0_i32 = arith.constant 0 : i32
    %c0_i32_0 = arith.constant 0 : i32
    return %c0_i32 : i32
  }
  func.func @transform_3(%arg0: i32) -> (i32, i32, i32) {
    %c0_i32 = arith.constant 0 : i32
    %c0_i32_0 = arith.constant 0 : i32
    %c0_i32_1 = arith.constant 0 : i32
    %c0_i32_2 = arith.constant 0 : i32
    return %c0_i32, %c0_i32_0, %c0_i32_1 : i32, i32, i32
  }
  func.func @transform_4(%arg0: i32) -> i32 {
    %c0_i32 = arith.constant 0 : i32
    %c0_i32_0 = arith.constant 0 : i32
    return %c0_i32 : i32
  }
  func.func @transform_5(%arg0: i32) -> (i32, i32) {
    %c0_i32 = arith.constant 0 : i32
    %c0_i32_0 = arith.constant 0 : i32
    %c0_i32_1 = arith.constant 0 : i32
    return %c0_i32, %c0_i32_0 : i32, i32
  }
  func.func @transform_6(%arg0: i32) -> (i32, i32) {
    %c0_i32 = arith.constant 0 : i32
    %c0_i32_0 = arith.constant 0 : i32
    return %arg0, %c0_i32 : i32, i32
  }
}

module attributes {stable_mosaic.version = 14 : i64} {
  func.func @_dec_block(%arg0: i32, %arg1: memref<2048x128xf32, #tpu.memory_space<vmem>>, %arg2: memref<128x2048xf32, #tpu.memory_space<vmem>>, %arg3: memref<128xf32, #tpu.memory_space<vmem>>, %arg4: memref<16x512x48xf32, #tpu.memory_space<vmem>>, %arg5: memref<48xf32, #tpu.memory_space<vmem>>, %arg6: memref<32x8x8x48xf32, #tpu.memory_space<vmem>>) attributes {dimension_semantics = [#tpu.dimension_semantics<arbitrary>], iteration_bounds = array<i64: 8>, scalar_prefetch = 0 : i64, scratch_operands = 0 : i64, tpu.core_type = #tpu.core_type<tc>, window_params = [{transform_indices = @transform_0, window_bounds = array<i64: 2048, 128>}, {pipeline_mode = #tpu.pipeline_mode<synchronous>, transform_indices = @transform_1, window_bounds = array<i64: 128, 2048>}, {pipeline_mode = #tpu.pipeline_mode<synchronous>, transform_indices = @transform_2, window_bounds = array<i64: 128>}, {pipeline_mode = #tpu.pipeline_mode<synchronous>, transform_indices = @transform_3, window_bounds = array<i64: 16, 512, 48>}, {pipeline_mode = #tpu.pipeline_mode<synchronous>, transform_indices = @transform_4, window_bounds = array<i64: 48>}, {transform_indices = @transform_5, window_bounds = array<i64: 32, 8, 8, 48>}]} {
    %get3A = arith.constant 0 : index
    %get3A_0 = arith.constant 0 : index
    %get3A_1 = vector.load %arg1[%get3A, %get3A_0] : memref<2048x128xf32, #tpu.memory_space<vmem>>, vector<2048x128xf32>
    %get3A_2 = arith.constant 0 : index
    %get3A_3 = arith.constant 0 : index
    %get3A_4 = vector.load %arg2[%get3A_2, %get3A_3] : memref<128x2048xf32, #tpu.memory_space<vmem>>, vector<128x2048xf32>
    %get3A_5 = arith.constant 0 : index
    %get3A_6 = vector.load %arg3[%get3A_5] : memref<128xf32, #tpu.memory_space<vmem>>, vector<128xf32>
    %dot_general3A = arith.constant dense<0.000000e+00> : vector<2048x2048xf32>
    %dot_general3A_7 = tpu.matmul %get3A_1, %get3A_4, %dot_general3A {dimension_numbers = #tpu.dot_dimension_numbers<[1], [0], [0], [1], [0, 0, 1, 1], [], []>, transpose_lhs_hint = false} : vector<2048x128xf32>, vector<128x2048xf32>, vector<2048x2048xf32> -> vector<2048x2048xf32>
    %slice3A = vector.extract_strided_slice %dot_general3A_7 {offsets = [0, 0], sizes = [2048, 128], strides = [1, 1]} : vector<2048x2048xf32> to vector<2048x128xf32>
    %reshape3A = vector.shape_cast %slice3A : vector<2048x128xf32> to vector<32x8x8x128xf32>
    %jit3A = arith.constant 0 : i32
    %convert_element_type3A = arith.sitofp %jit3A : i32 to f32
    %pad3A = vector.broadcast %convert_element_type3A : f32 to vector<32x1x8x128xf32>
    %pad3A_8 = tpu.concatenate %pad3A, %reshape3A in 1 : vector<32x1x8x128xf32>, vector<32x8x8x128xf32> -> vector<32x9x8x128xf32>
    %pad3A_9 = vector.broadcast %convert_element_type3A : f32 to vector<32x1x8x128xf32>
    %pad3A_10 = tpu.concatenate %pad3A_8, %pad3A_9 in 1 : vector<32x9x8x128xf32>, vector<32x1x8x128xf32> -> vector<32x10x8x128xf32>
    %pad3A_11 = vector.broadcast %convert_element_type3A : f32 to vector<32x10x1x128xf32>
    %pad3A_12 = tpu.concatenate %pad3A_11, %pad3A_10 in 2 : vector<32x10x1x128xf32>, vector<32x10x8x128xf32> -> vector<32x10x9x128xf32>
    %pad3A_13 = vector.broadcast %convert_element_type3A : f32 to vector<32x10x1x128xf32>
    %pad3A_14 = tpu.concatenate %pad3A_12, %pad3A_13 in 2 : vector<32x10x9x128xf32>, vector<32x10x1x128xf32> -> vector<32x10x10x128xf32>
    %slice3A_15 = vector.extract_strided_slice %dot_general3A_7 {offsets = [0, 128], sizes = [2048, 128], strides = [1, 1]} : vector<2048x2048xf32> to vector<2048x128xf32>
    %reshape3A_16 = vector.shape_cast %slice3A_15 : vector<2048x128xf32> to vector<32x8x8x128xf32>
    %jit3A_17 = arith.constant 0 : i32
    %convert_element_type3A_18 = arith.sitofp %jit3A_17 : i32 to f32
    %pad3A_19 = vector.broadcast %convert_element_type3A_18 : f32 to vector<32x1x8x128xf32>
    %pad3A_20 = tpu.concatenate %pad3A_19, %reshape3A_16 in 1 : vector<32x1x8x128xf32>, vector<32x8x8x128xf32> -> vector<32x9x8x128xf32>
    %pad3A_21 = vector.broadcast %convert_element_type3A_18 : f32 to vector<32x1x8x128xf32>
    %pad3A_22 = tpu.concatenate %pad3A_20, %pad3A_21 in 1 : vector<32x9x8x128xf32>, vector<32x1x8x128xf32> -> vector<32x10x8x128xf32>
    %pad3A_23 = vector.broadcast %convert_element_type3A_18 : f32 to vector<32x10x1x128xf32>
    %pad3A_24 = tpu.concatenate %pad3A_23, %pad3A_22 in 2 : vector<32x10x1x128xf32>, vector<32x10x8x128xf32> -> vector<32x10x9x128xf32>
    %pad3A_25 = vector.broadcast %convert_element_type3A_18 : f32 to vector<32x10x1x128xf32>
    %pad3A_26 = tpu.concatenate %pad3A_24, %pad3A_25 in 2 : vector<32x10x9x128xf32>, vector<32x10x1x128xf32> -> vector<32x10x10x128xf32>
    %slice3A_27 = vector.extract_strided_slice %dot_general3A_7 {offsets = [0, 256], sizes = [2048, 128], strides = [1, 1]} : vector<2048x2048xf32> to vector<2048x128xf32>
    %reshape3A_28 = vector.shape_cast %slice3A_27 : vector<2048x128xf32> to vector<32x8x8x128xf32>
    %jit3A_29 = arith.constant 0 : i32
    %convert_element_type3A_30 = arith.sitofp %jit3A_29 : i32 to f32
    %pad3A_31 = vector.broadcast %convert_element_type3A_30 : f32 to vector<32x1x8x128xf32>
    %pad3A_32 = tpu.concatenate %pad3A_31, %reshape3A_28 in 1 : vector<32x1x8x128xf32>, vector<32x8x8x128xf32> -> vector<32x9x8x128xf32>
    %pad3A_33 = vector.broadcast %convert_element_type3A_30 : f32 to vector<32x1x8x128xf32>
    %pad3A_34 = tpu.concatenate %pad3A_32, %pad3A_33 in 1 : vector<32x9x8x128xf32>, vector<32x1x8x128xf32> -> vector<32x10x8x128xf32>
    %pad3A_35 = vector.broadcast %convert_element_type3A_30 : f32 to vector<32x10x1x128xf32>
    %pad3A_36 = tpu.concatenate %pad3A_35, %pad3A_34 in 2 : vector<32x10x1x128xf32>, vector<32x10x8x128xf32> -> vector<32x10x9x128xf32>
    %pad3A_37 = vector.broadcast %convert_element_type3A_30 : f32 to vector<32x10x1x128xf32>
    %pad3A_38 = tpu.concatenate %pad3A_36, %pad3A_37 in 2 : vector<32x10x9x128xf32>, vector<32x10x1x128xf32> -> vector<32x10x10x128xf32>
    %slice3A_39 = vector.extract_strided_slice %dot_general3A_7 {offsets = [0, 384], sizes = [2048, 128], strides = [1, 1]} : vector<2048x2048xf32> to vector<2048x128xf32>
    %reshape3A_40 = vector.shape_cast %slice3A_39 : vector<2048x128xf32> to vector<32x8x8x128xf32>
    %jit3A_41 = arith.constant 0 : i32
    %convert_element_type3A_42 = arith.sitofp %jit3A_41 : i32 to f32
    %pad3A_43 = vector.broadcast %convert_element_type3A_42 : f32 to vector<32x1x8x128xf32>
    %pad3A_44 = tpu.concatenate %pad3A_43, %reshape3A_40 in 1 : vector<32x1x8x128xf32>, vector<32x8x8x128xf32> -> vector<32x9x8x128xf32>
    %pad3A_45 = vector.broadcast %convert_element_type3A_42 : f32 to vector<32x1x8x128xf32>
    %pad3A_46 = tpu.concatenate %pad3A_44, %pad3A_45 in 1 : vector<32x9x8x128xf32>, vector<32x1x8x128xf32> -> vector<32x10x8x128xf32>
    %pad3A_47 = vector.broadcast %convert_element_type3A_42 : f32 to vector<32x10x1x128xf32>
    %pad3A_48 = tpu.concatenate %pad3A_47, %pad3A_46 in 2 : vector<32x10x1x128xf32>, vector<32x10x8x128xf32> -> vector<32x10x9x128xf32>
    %pad3A_49 = vector.broadcast %convert_element_type3A_42 : f32 to vector<32x10x1x128xf32>
    %pad3A_50 = tpu.concatenate %pad3A_48, %pad3A_49 in 2 : vector<32x10x9x128xf32>, vector<32x10x1x128xf32> -> vector<32x10x10x128xf32>
    %slice3A_51 = vector.extract_strided_slice %dot_general3A_7 {offsets = [0, 512], sizes = [2048, 128], strides = [1, 1]} : vector<2048x2048xf32> to vector<2048x128xf32>
    %reshape3A_52 = vector.shape_cast %slice3A_51 : vector<2048x128xf32> to vector<32x8x8x128xf32>
    %jit3A_53 = arith.constant 0 : i32
    %convert_element_type3A_54 = arith.sitofp %jit3A_53 : i32 to f32
    %pad3A_55 = vector.broadcast %convert_element_type3A_54 : f32 to vector<32x1x8x128xf32>
    %pad3A_56 = tpu.concatenate %pad3A_55, %reshape3A_52 in 1 : vector<32x1x8x128xf32>, vector<32x8x8x128xf32> -> vector<32x9x8x128xf32>
    %pad3A_57 = vector.broadcast %convert_element_type3A_54 : f32 to vector<32x1x8x128xf32>
    %pad3A_58 = tpu.concatenate %pad3A_56, %pad3A_57 in 1 : vector<32x9x8x128xf32>, vector<32x1x8x128xf32> -> vector<32x10x8x128xf32>
    %pad3A_59 = vector.broadcast %convert_element_type3A_54 : f32 to vector<32x10x1x128xf32>
    %pad3A_60 = tpu.concatenate %pad3A_59, %pad3A_58 in 2 : vector<32x10x1x128xf32>, vector<32x10x8x128xf32> -> vector<32x10x9x128xf32>
    %pad3A_61 = vector.broadcast %convert_element_type3A_54 : f32 to vector<32x10x1x128xf32>
    %pad3A_62 = tpu.concatenate %pad3A_60, %pad3A_61 in 2 : vector<32x10x9x128xf32>, vector<32x10x1x128xf32> -> vector<32x10x10x128xf32>
    %slice3A_63 = vector.extract_strided_slice %dot_general3A_7 {offsets = [0, 640], sizes = [2048, 128], strides = [1, 1]} : vector<2048x2048xf32> to vector<2048x128xf32>
    %reshape3A_64 = vector.shape_cast %slice3A_63 : vector<2048x128xf32> to vector<32x8x8x128xf32>
    %jit3A_65 = arith.constant 0 : i32
    %convert_element_type3A_66 = arith.sitofp %jit3A_65 : i32 to f32
    %pad3A_67 = vector.broadcast %convert_element_type3A_66 : f32 to vector<32x1x8x128xf32>
    %pad3A_68 = tpu.concatenate %pad3A_67, %reshape3A_64 in 1 : vector<32x1x8x128xf32>, vector<32x8x8x128xf32> -> vector<32x9x8x128xf32>
    %pad3A_69 = vector.broadcast %convert_element_type3A_66 : f32 to vector<32x1x8x128xf32>
    %pad3A_70 = tpu.concatenate %pad3A_68, %pad3A_69 in 1 : vector<32x9x8x128xf32>, vector<32x1x8x128xf32> -> vector<32x10x8x128xf32>
    %pad3A_71 = vector.broadcast %convert_element_type3A_66 : f32 to vector<32x10x1x128xf32>
    %pad3A_72 = tpu.concatenate %pad3A_71, %pad3A_70 in 2 : vector<32x10x1x128xf32>, vector<32x10x8x128xf32> -> vector<32x10x9x128xf32>
    %pad3A_73 = vector.broadcast %convert_element_type3A_66 : f32 to vector<32x10x1x128xf32>
    %pad3A_74 = tpu.concatenate %pad3A_72, %pad3A_73 in 2 : vector<32x10x9x128xf32>, vector<32x10x1x128xf32> -> vector<32x10x10x128xf32>
    %slice3A_75 = vector.extract_strided_slice %dot_general3A_7 {offsets = [0, 768], sizes = [2048, 128], strides = [1, 1]} : vector<2048x2048xf32> to vector<2048x128xf32>
    %reshape3A_76 = vector.shape_cast %slice3A_75 : vector<2048x128xf32> to vector<32x8x8x128xf32>
    %jit3A_77 = arith.constant 0 : i32
    %convert_element_type3A_78 = arith.sitofp %jit3A_77 : i32 to f32
    %pad3A_79 = vector.broadcast %convert_element_type3A_78 : f32 to vector<32x1x8x128xf32>
    %pad3A_80 = tpu.concatenate %pad3A_79, %reshape3A_76 in 1 : vector<32x1x8x128xf32>, vector<32x8x8x128xf32> -> vector<32x9x8x128xf32>
    %pad3A_81 = vector.broadcast %convert_element_type3A_78 : f32 to vector<32x1x8x128xf32>
    %pad3A_82 = tpu.concatenate %pad3A_80, %pad3A_81 in 1 : vector<32x9x8x128xf32>, vector<32x1x8x128xf32> -> vector<32x10x8x128xf32>
    %pad3A_83 = vector.broadcast %convert_element_type3A_78 : f32 to vector<32x10x1x128xf32>
    %pad3A_84 = tpu.concatenate %pad3A_83, %pad3A_82 in 2 : vector<32x10x1x128xf32>, vector<32x10x8x128xf32> -> vector<32x10x9x128xf32>
    %pad3A_85 = vector.broadcast %convert_element_type3A_78 : f32 to vector<32x10x1x128xf32>
    %pad3A_86 = tpu.concatenate %pad3A_84, %pad3A_85 in 2 : vector<32x10x9x128xf32>, vector<32x10x1x128xf32> -> vector<32x10x10x128xf32>
    %slice3A_87 = vector.extract_strided_slice %dot_general3A_7 {offsets = [0, 896], sizes = [2048, 128], strides = [1, 1]} : vector<2048x2048xf32> to vector<2048x128xf32>
    %reshape3A_88 = vector.shape_cast %slice3A_87 : vector<2048x128xf32> to vector<32x8x8x128xf32>
    %jit3A_89 = arith.constant 0 : i32
    %convert_element_type3A_90 = arith.sitofp %jit3A_89 : i32 to f32
    %pad3A_91 = vector.broadcast %convert_element_type3A_90 : f32 to vector<32x1x8x128xf32>
    %pad3A_92 = tpu.concatenate %pad3A_91, %reshape3A_88 in 1 : vector<32x1x8x128xf32>, vector<32x8x8x128xf32> -> vector<32x9x8x128xf32>
    %pad3A_93 = vector.broadcast %convert_element_type3A_90 : f32 to vector<32x1x8x128xf32>
    %pad3A_94 = tpu.concatenate %pad3A_92, %pad3A_93 in 1 : vector<32x9x8x128xf32>, vector<32x1x8x128xf32> -> vector<32x10x8x128xf32>
    %pad3A_95 = vector.broadcast %convert_element_type3A_90 : f32 to vector<32x10x1x128xf32>
    %pad3A_96 = tpu.concatenate %pad3A_95, %pad3A_94 in 2 : vector<32x10x1x128xf32>, vector<32x10x8x128xf32> -> vector<32x10x9x128xf32>
    %pad3A_97 = vector.broadcast %convert_element_type3A_90 : f32 to vector<32x10x1x128xf32>
    %pad3A_98 = tpu.concatenate %pad3A_96, %pad3A_97 in 2 : vector<32x10x9x128xf32>, vector<32x10x1x128xf32> -> vector<32x10x10x128xf32>
    %slice3A_99 = vector.extract_strided_slice %dot_general3A_7 {offsets = [0, 1024], sizes = [2048, 128], strides = [1, 1]} : vector<2048x2048xf32> to vector<2048x128xf32>
    %reshape3A_100 = vector.shape_cast %slice3A_99 : vector<2048x128xf32> to vector<32x8x8x128xf32>
    %jit3A_101 = arith.constant 0 : i32
    %convert_element_type3A_102 = arith.sitofp %jit3A_101 : i32 to f32
    %pad3A_103 = vector.broadcast %convert_element_type3A_102 : f32 to vector<32x1x8x128xf32>
    %pad3A_104 = tpu.concatenate %pad3A_103, %reshape3A_100 in 1 : vector<32x1x8x128xf32>, vector<32x8x8x128xf32> -> vector<32x9x8x128xf32>
    %pad3A_105 = vector.broadcast %convert_element_type3A_102 : f32 to vector<32x1x8x128xf32>
    %pad3A_106 = tpu.concatenate %pad3A_104, %pad3A_105 in 1 : vector<32x9x8x128xf32>, vector<32x1x8x128xf32> -> vector<32x10x8x128xf32>
    %pad3A_107 = vector.broadcast %convert_element_type3A_102 : f32 to vector<32x10x1x128xf32>
    %pad3A_108 = tpu.concatenate %pad3A_107, %pad3A_106 in 2 : vector<32x10x1x128xf32>, vector<32x10x8x128xf32> -> vector<32x10x9x128xf32>
    %pad3A_109 = vector.broadcast %convert_element_type3A_102 : f32 to vector<32x10x1x128xf32>
    %pad3A_110 = tpu.concatenate %pad3A_108, %pad3A_109 in 2 : vector<32x10x9x128xf32>, vector<32x10x1x128xf32> -> vector<32x10x10x128xf32>
    %slice3A_111 = vector.extract_strided_slice %dot_general3A_7 {offsets = [0, 1152], sizes = [2048, 128], strides = [1, 1]} : vector<2048x2048xf32> to vector<2048x128xf32>
    %reshape3A_112 = vector.shape_cast %slice3A_111 : vector<2048x128xf32> to vector<32x8x8x128xf32>
    %jit3A_113 = arith.constant 0 : i32
    %convert_element_type3A_114 = arith.sitofp %jit3A_113 : i32 to f32
    %pad3A_115 = vector.broadcast %convert_element_type3A_114 : f32 to vector<32x1x8x128xf32>
    %pad3A_116 = tpu.concatenate %pad3A_115, %reshape3A_112 in 1 : vector<32x1x8x128xf32>, vector<32x8x8x128xf32> -> vector<32x9x8x128xf32>
    %pad3A_117 = vector.broadcast %convert_element_type3A_114 : f32 to vector<32x1x8x128xf32>
    %pad3A_118 = tpu.concatenate %pad3A_116, %pad3A_117 in 1 : vector<32x9x8x128xf32>, vector<32x1x8x128xf32> -> vector<32x10x8x128xf32>
    %pad3A_119 = vector.broadcast %convert_element_type3A_114 : f32 to vector<32x10x1x128xf32>
    %pad3A_120 = tpu.concatenate %pad3A_119, %pad3A_118 in 2 : vector<32x10x1x128xf32>, vector<32x10x8x128xf32> -> vector<32x10x9x128xf32>
    %pad3A_121 = vector.broadcast %convert_element_type3A_114 : f32 to vector<32x10x1x128xf32>
    %pad3A_122 = tpu.concatenate %pad3A_120, %pad3A_121 in 2 : vector<32x10x9x128xf32>, vector<32x10x1x128xf32> -> vector<32x10x10x128xf32>
    %slice3A_123 = vector.extract_strided_slice %dot_general3A_7 {offsets = [0, 1280], sizes = [2048, 128], strides = [1, 1]} : vector<2048x2048xf32> to vector<2048x128xf32>
    %reshape3A_124 = vector.shape_cast %slice3A_123 : vector<2048x128xf32> to vector<32x8x8x128xf32>
    %jit3A_125 = arith.constant 0 : i32
    %convert_element_type3A_126 = arith.sitofp %jit3A_125 : i32 to f32
    %pad3A_127 = vector.broadcast %convert_element_type3A_126 : f32 to vector<32x1x8x128xf32>
    %pad3A_128 = tpu.concatenate %pad3A_127, %reshape3A_124 in 1 : vector<32x1x8x128xf32>, vector<32x8x8x128xf32> -> vector<32x9x8x128xf32>
    %pad3A_129 = vector.broadcast %convert_element_type3A_126 : f32 to vector<32x1x8x128xf32>
    %pad3A_130 = tpu.concatenate %pad3A_128, %pad3A_129 in 1 : vector<32x9x8x128xf32>, vector<32x1x8x128xf32> -> vector<32x10x8x128xf32>
    %pad3A_131 = vector.broadcast %convert_element_type3A_126 : f32 to vector<32x10x1x128xf32>
    %pad3A_132 = tpu.concatenate %pad3A_131, %pad3A_130 in 2 : vector<32x10x1x128xf32>, vector<32x10x8x128xf32> -> vector<32x10x9x128xf32>
    %pad3A_133 = vector.broadcast %convert_element_type3A_126 : f32 to vector<32x10x1x128xf32>
    %pad3A_134 = tpu.concatenate %pad3A_132, %pad3A_133 in 2 : vector<32x10x9x128xf32>, vector<32x10x1x128xf32> -> vector<32x10x10x128xf32>
    %slice3A_135 = vector.extract_strided_slice %dot_general3A_7 {offsets = [0, 1408], sizes = [2048, 128], strides = [1, 1]} : vector<2048x2048xf32> to vector<2048x128xf32>
    %reshape3A_136 = vector.shape_cast %slice3A_135 : vector<2048x128xf32> to vector<32x8x8x128xf32>
    %jit3A_137 = arith.constant 0 : i32
    %convert_element_type3A_138 = arith.sitofp %jit3A_137 : i32 to f32
    %pad3A_139 = vector.broadcast %convert_element_type3A_138 : f32 to vector<32x1x8x128xf32>
    %pad3A_140 = tpu.concatenate %pad3A_139, %reshape3A_136 in 1 : vector<32x1x8x128xf32>, vector<32x8x8x128xf32> -> vector<32x9x8x128xf32>
    %pad3A_141 = vector.broadcast %convert_element_type3A_138 : f32 to vector<32x1x8x128xf32>
    %pad3A_142 = tpu.concatenate %pad3A_140, %pad3A_141 in 1 : vector<32x9x8x128xf32>, vector<32x1x8x128xf32> -> vector<32x10x8x128xf32>
    %pad3A_143 = vector.broadcast %convert_element_type3A_138 : f32 to vector<32x10x1x128xf32>
    %pad3A_144 = tpu.concatenate %pad3A_143, %pad3A_142 in 2 : vector<32x10x1x128xf32>, vector<32x10x8x128xf32> -> vector<32x10x9x128xf32>
    %pad3A_145 = vector.broadcast %convert_element_type3A_138 : f32 to vector<32x10x1x128xf32>
    %pad3A_146 = tpu.concatenate %pad3A_144, %pad3A_145 in 2 : vector<32x10x9x128xf32>, vector<32x10x1x128xf32> -> vector<32x10x10x128xf32>
    %slice3A_147 = vector.extract_strided_slice %dot_general3A_7 {offsets = [0, 1536], sizes = [2048, 128], strides = [1, 1]} : vector<2048x2048xf32> to vector<2048x128xf32>
    %reshape3A_148 = vector.shape_cast %slice3A_147 : vector<2048x128xf32> to vector<32x8x8x128xf32>
    %jit3A_149 = arith.constant 0 : i32
    %convert_element_type3A_150 = arith.sitofp %jit3A_149 : i32 to f32
    %pad3A_151 = vector.broadcast %convert_element_type3A_150 : f32 to vector<32x1x8x128xf32>
    %pad3A_152 = tpu.concatenate %pad3A_151, %reshape3A_148 in 1 : vector<32x1x8x128xf32>, vector<32x8x8x128xf32> -> vector<32x9x8x128xf32>
    %pad3A_153 = vector.broadcast %convert_element_type3A_150 : f32 to vector<32x1x8x128xf32>
    %pad3A_154 = tpu.concatenate %pad3A_152, %pad3A_153 in 1 : vector<32x9x8x128xf32>, vector<32x1x8x128xf32> -> vector<32x10x8x128xf32>
    %pad3A_155 = vector.broadcast %convert_element_type3A_150 : f32 to vector<32x10x1x128xf32>
    %pad3A_156 = tpu.concatenate %pad3A_155, %pad3A_154 in 2 : vector<32x10x1x128xf32>, vector<32x10x8x128xf32> -> vector<32x10x9x128xf32>
    %pad3A_157 = vector.broadcast %convert_element_type3A_150 : f32 to vector<32x10x1x128xf32>
    %pad3A_158 = tpu.concatenate %pad3A_156, %pad3A_157 in 2 : vector<32x10x9x128xf32>, vector<32x10x1x128xf32> -> vector<32x10x10x128xf32>
    %slice3A_159 = vector.extract_strided_slice %dot_general3A_7 {offsets = [0, 1664], sizes = [2048, 128], strides = [1, 1]} : vector<2048x2048xf32> to vector<2048x128xf32>
    %reshape3A_160 = vector.shape_cast %slice3A_159 : vector<2048x128xf32> to vector<32x8x8x128xf32>
    %jit3A_161 = arith.constant 0 : i32
    %convert_element_type3A_162 = arith.sitofp %jit3A_161 : i32 to f32
    %pad3A_163 = vector.broadcast %convert_element_type3A_162 : f32 to vector<32x1x8x128xf32>
    %pad3A_164 = tpu.concatenate %pad3A_163, %reshape3A_160 in 1 : vector<32x1x8x128xf32>, vector<32x8x8x128xf32> -> vector<32x9x8x128xf32>
    %pad3A_165 = vector.broadcast %convert_element_type3A_162 : f32 to vector<32x1x8x128xf32>
    %pad3A_166 = tpu.concatenate %pad3A_164, %pad3A_165 in 1 : vector<32x9x8x128xf32>, vector<32x1x8x128xf32> -> vector<32x10x8x128xf32>
    %pad3A_167 = vector.broadcast %convert_element_type3A_162 : f32 to vector<32x10x1x128xf32>
    %pad3A_168 = tpu.concatenate %pad3A_167, %pad3A_166 in 2 : vector<32x10x1x128xf32>, vector<32x10x8x128xf32> -> vector<32x10x9x128xf32>
    %pad3A_169 = vector.broadcast %convert_element_type3A_162 : f32 to vector<32x10x1x128xf32>
    %pad3A_170 = tpu.concatenate %pad3A_168, %pad3A_169 in 2 : vector<32x10x9x128xf32>, vector<32x10x1x128xf32> -> vector<32x10x10x128xf32>
    %slice3A_171 = vector.extract_strided_slice %dot_general3A_7 {offsets = [0, 1792], sizes = [2048, 128], strides = [1, 1]} : vector<2048x2048xf32> to vector<2048x128xf32>
    %reshape3A_172 = vector.shape_cast %slice3A_171 : vector<2048x128xf32> to vector<32x8x8x128xf32>
    %jit3A_173 = arith.constant 0 : i32
    %convert_element_type3A_174 = arith.sitofp %jit3A_173 : i32 to f32
    %pad3A_175 = vector.broadcast %convert_element_type3A_174 : f32 to vector<32x1x8x128xf32>
    %pad3A_176 = tpu.concatenate %pad3A_175, %reshape3A_172 in 1 : vector<32x1x8x128xf32>, vector<32x8x8x128xf32> -> vector<32x9x8x128xf32>
    %pad3A_177 = vector.broadcast %convert_element_type3A_174 : f32 to vector<32x1x8x128xf32>
    %pad3A_178 = tpu.concatenate %pad3A_176, %pad3A_177 in 1 : vector<32x9x8x128xf32>, vector<32x1x8x128xf32> -> vector<32x10x8x128xf32>
    %pad3A_179 = vector.broadcast %convert_element_type3A_174 : f32 to vector<32x10x1x128xf32>
    %pad3A_180 = tpu.concatenate %pad3A_179, %pad3A_178 in 2 : vector<32x10x1x128xf32>, vector<32x10x8x128xf32> -> vector<32x10x9x128xf32>
    %pad3A_181 = vector.broadcast %convert_element_type3A_174 : f32 to vector<32x10x1x128xf32>
    %pad3A_182 = tpu.concatenate %pad3A_180, %pad3A_181 in 2 : vector<32x10x9x128xf32>, vector<32x10x1x128xf32> -> vector<32x10x10x128xf32>
    %slice3A_183 = vector.extract_strided_slice %dot_general3A_7 {offsets = [0, 1920], sizes = [2048, 128], strides = [1, 1]} : vector<2048x2048xf32> to vector<2048x128xf32>
    %reshape3A_184 = vector.shape_cast %slice3A_183 : vector<2048x128xf32> to vector<32x8x8x128xf32>
    %jit3A_185 = arith.constant 0 : i32
    %convert_element_type3A_186 = arith.sitofp %jit3A_185 : i32 to f32
    %pad3A_187 = vector.broadcast %convert_element_type3A_186 : f32 to vector<32x1x8x128xf32>
    %pad3A_188 = tpu.concatenate %pad3A_187, %reshape3A_184 in 1 : vector<32x1x8x128xf32>, vector<32x8x8x128xf32> -> vector<32x9x8x128xf32>
    %pad3A_189 = vector.broadcast %convert_element_type3A_186 : f32 to vector<32x1x8x128xf32>
    %pad3A_190 = tpu.concatenate %pad3A_188, %pad3A_189 in 1 : vector<32x9x8x128xf32>, vector<32x1x8x128xf32> -> vector<32x10x8x128xf32>
    %pad3A_191 = vector.broadcast %convert_element_type3A_186 : f32 to vector<32x10x1x128xf32>
    %pad3A_192 = tpu.concatenate %pad3A_191, %pad3A_190 in 2 : vector<32x10x1x128xf32>, vector<32x10x8x128xf32> -> vector<32x10x9x128xf32>
    %pad3A_193 = vector.broadcast %convert_element_type3A_186 : f32 to vector<32x10x1x128xf32>
    %pad3A_194 = tpu.concatenate %pad3A_192, %pad3A_193 in 2 : vector<32x10x9x128xf32>, vector<32x10x1x128xf32> -> vector<32x10x10x128xf32>
    %slice3A_195 = vector.extract_strided_slice %pad3A_14 {offsets = [0, 0, 0, 0], sizes = [32, 8, 8, 128], strides = [1, 1, 1, 1]} : vector<32x10x10x128xf32> to vector<32x8x8x128xf32>
    %slice3A_196 = vector.extract_strided_slice %pad3A_38 {offsets = [0, 0, 1, 0], sizes = [32, 8, 8, 128], strides = [1, 1, 1, 1]} : vector<32x10x10x128xf32> to vector<32x8x8x128xf32>
    %add3A = arith.addf %slice3A_195, %slice3A_196 : vector<32x8x8x128xf32>
    %slice3A_197 = vector.extract_strided_slice %pad3A_110 {offsets = [0, 1, 0, 0], sizes = [32, 8, 8, 128], strides = [1, 1, 1, 1]} : vector<32x10x10x128xf32> to vector<32x8x8x128xf32>
    %add3A_198 = arith.addf %add3A, %slice3A_197 : vector<32x8x8x128xf32>
    %slice3A_199 = vector.extract_strided_slice %pad3A_134 {offsets = [0, 1, 1, 0], sizes = [32, 8, 8, 128], strides = [1, 1, 1, 1]} : vector<32x10x10x128xf32> to vector<32x8x8x128xf32>
    %add3A_200 = arith.addf %add3A_198, %slice3A_199 : vector<32x8x8x128xf32>
    %broadcast_in_dim3A = vector.shape_cast %get3A_6 : vector<128xf32> to vector<1x1x1x128xf32>
    %add3A_201 = vector.broadcast %broadcast_in_dim3A : vector<1x1x1x128xf32> to vector<32x8x8x128xf32>
    %add3A_202 = arith.addf %add3A_200, %add3A_201 : vector<32x8x8x128xf32>
    %max3A = arith.constant 0.000000e+00 : f32
    %max3A_203 = vector.broadcast %max3A : f32 to vector<32x8x8x128xf32>
    %max3A_204 = arith.maximumf %add3A_202, %max3A_203 : vector<32x8x8x128xf32>
    %slice3A_205 = vector.extract_strided_slice %pad3A_26 {offsets = [0, 0, 1, 0], sizes = [32, 8, 8, 128], strides = [1, 1, 1, 1]} : vector<32x10x10x128xf32> to vector<32x8x8x128xf32>
    %slice3A_206 = vector.extract_strided_slice %pad3A_50 {offsets = [0, 0, 2, 0], sizes = [32, 8, 8, 128], strides = [1, 1, 1, 1]} : vector<32x10x10x128xf32> to vector<32x8x8x128xf32>
    %add3A_207 = arith.addf %slice3A_205, %slice3A_206 : vector<32x8x8x128xf32>
    %slice3A_208 = vector.extract_strided_slice %pad3A_122 {offsets = [0, 1, 1, 0], sizes = [32, 8, 8, 128], strides = [1, 1, 1, 1]} : vector<32x10x10x128xf32> to vector<32x8x8x128xf32>
    %add3A_209 = arith.addf %add3A_207, %slice3A_208 : vector<32x8x8x128xf32>
    %slice3A_210 = vector.extract_strided_slice %pad3A_146 {offsets = [0, 1, 2, 0], sizes = [32, 8, 8, 128], strides = [1, 1, 1, 1]} : vector<32x10x10x128xf32> to vector<32x8x8x128xf32>
    %add3A_211 = arith.addf %add3A_209, %slice3A_210 : vector<32x8x8x128xf32>
    %broadcast_in_dim3A_212 = vector.shape_cast %get3A_6 : vector<128xf32> to vector<1x1x1x128xf32>
    %add3A_213 = vector.broadcast %broadcast_in_dim3A_212 : vector<1x1x1x128xf32> to vector<32x8x8x128xf32>
    %add3A_214 = arith.addf %add3A_211, %add3A_213 : vector<32x8x8x128xf32>
    %max3A_215 = arith.constant 0.000000e+00 : f32
    %max3A_216 = vector.broadcast %max3A_215 : f32 to vector<32x8x8x128xf32>
    %max3A_217 = arith.maximumf %add3A_214, %max3A_216 : vector<32x8x8x128xf32>
    %slice3A_218 = vector.extract_strided_slice %pad3A_62 {offsets = [0, 1, 0, 0], sizes = [32, 8, 8, 128], strides = [1, 1, 1, 1]} : vector<32x10x10x128xf32> to vector<32x8x8x128xf32>
    %slice3A_219 = vector.extract_strided_slice %pad3A_86 {offsets = [0, 1, 1, 0], sizes = [32, 8, 8, 128], strides = [1, 1, 1, 1]} : vector<32x10x10x128xf32> to vector<32x8x8x128xf32>
    %add3A_220 = arith.addf %slice3A_218, %slice3A_219 : vector<32x8x8x128xf32>
    %slice3A_221 = vector.extract_strided_slice %pad3A_158 {offsets = [0, 2, 0, 0], sizes = [32, 8, 8, 128], strides = [1, 1, 1, 1]} : vector<32x10x10x128xf32> to vector<32x8x8x128xf32>
    %add3A_222 = arith.addf %add3A_220, %slice3A_221 : vector<32x8x8x128xf32>
    %slice3A_223 = vector.extract_strided_slice %pad3A_182 {offsets = [0, 2, 1, 0], sizes = [32, 8, 8, 128], strides = [1, 1, 1, 1]} : vector<32x10x10x128xf32> to vector<32x8x8x128xf32>
    %add3A_224 = arith.addf %add3A_222, %slice3A_223 : vector<32x8x8x128xf32>
    %broadcast_in_dim3A_225 = vector.shape_cast %get3A_6 : vector<128xf32> to vector<1x1x1x128xf32>
    %add3A_226 = vector.broadcast %broadcast_in_dim3A_225 : vector<1x1x1x128xf32> to vector<32x8x8x128xf32>
    %add3A_227 = arith.addf %add3A_224, %add3A_226 : vector<32x8x8x128xf32>
    %max3A_228 = arith.constant 0.000000e+00 : f32
    %max3A_229 = vector.broadcast %max3A_228 : f32 to vector<32x8x8x128xf32>
    %max3A_230 = arith.maximumf %add3A_227, %max3A_229 : vector<32x8x8x128xf32>
    %slice3A_231 = vector.extract_strided_slice %pad3A_74 {offsets = [0, 1, 1, 0], sizes = [32, 8, 8, 128], strides = [1, 1, 1, 1]} : vector<32x10x10x128xf32> to vector<32x8x8x128xf32>
    %slice3A_232 = vector.extract_strided_slice %pad3A_98 {offsets = [0, 1, 2, 0], sizes = [32, 8, 8, 128], strides = [1, 1, 1, 1]} : vector<32x10x10x128xf32> to vector<32x8x8x128xf32>
    %add3A_233 = arith.addf %slice3A_231, %slice3A_232 : vector<32x8x8x128xf32>
    %slice3A_234 = vector.extract_strided_slice %pad3A_170 {offsets = [0, 2, 1, 0], sizes = [32, 8, 8, 128], strides = [1, 1, 1, 1]} : vector<32x10x10x128xf32> to vector<32x8x8x128xf32>
    %add3A_235 = arith.addf %add3A_233, %slice3A_234 : vector<32x8x8x128xf32>
    %slice3A_236 = vector.extract_strided_slice %pad3A_194 {offsets = [0, 2, 2, 0], sizes = [32, 8, 8, 128], strides = [1, 1, 1, 1]} : vector<32x10x10x128xf32> to vector<32x8x8x128xf32>
    %add3A_237 = arith.addf %add3A_235, %slice3A_236 : vector<32x8x8x128xf32>
    %broadcast_in_dim3A_238 = vector.shape_cast %get3A_6 : vector<128xf32> to vector<1x1x1x128xf32>
    %add3A_239 = vector.broadcast %broadcast_in_dim3A_238 : vector<1x1x1x128xf32> to vector<32x8x8x128xf32>
    %add3A_240 = arith.addf %add3A_237, %add3A_239 : vector<32x8x8x128xf32>
    %max3A_241 = arith.constant 0.000000e+00 : f32
    %max3A_242 = vector.broadcast %max3A_241 : f32 to vector<32x8x8x128xf32>
    %max3A_243 = arith.maximumf %add3A_240, %max3A_242 : vector<32x8x8x128xf32>
    %get3A_244 = arith.constant 0 : index
    %get3A_245 = arith.constant 0 : index
    %get3A_246 = arith.constant 0 : index
    %get3A_247 = vector.load %arg4[%get3A_244, %get3A_245, %get3A_246] : memref<16x512x48xf32, #tpu.memory_space<vmem>>, vector<16x512x48xf32>
    %get3A_248 = arith.constant 0 : index
    %get3A_249 = vector.load %arg5[%get3A_248] : memref<48xf32, #tpu.memory_space<vmem>>, vector<48xf32>
    %jit3A_250 = arith.constant 0 : i32
    %convert_element_type3A_251 = arith.sitofp %jit3A_250 : i32 to f32
    %pad3A_252 = vector.broadcast %convert_element_type3A_251 : f32 to vector<32x1x8x128xf32>
    %pad3A_253 = tpu.concatenate %pad3A_252, %max3A_204 in 1 : vector<32x1x8x128xf32>, vector<32x8x8x128xf32> -> vector<32x9x8x128xf32>
    %pad3A_254 = vector.broadcast %convert_element_type3A_251 : f32 to vector<32x1x8x128xf32>
    %pad3A_255 = tpu.concatenate %pad3A_253, %pad3A_254 in 1 : vector<32x9x8x128xf32>, vector<32x1x8x128xf32> -> vector<32x10x8x128xf32>
    %pad3A_256 = vector.broadcast %convert_element_type3A_251 : f32 to vector<32x10x1x128xf32>
    %pad3A_257 = tpu.concatenate %pad3A_256, %pad3A_255 in 2 : vector<32x10x1x128xf32>, vector<32x10x8x128xf32> -> vector<32x10x9x128xf32>
    %pad3A_258 = vector.broadcast %convert_element_type3A_251 : f32 to vector<32x10x1x128xf32>
    %pad3A_259 = tpu.concatenate %pad3A_257, %pad3A_258 in 2 : vector<32x10x9x128xf32>, vector<32x10x1x128xf32> -> vector<32x10x10x128xf32>
    %jit3A_260 = arith.constant 0 : i32
    %convert_element_type3A_261 = arith.sitofp %jit3A_260 : i32 to f32
    %pad3A_262 = vector.broadcast %convert_element_type3A_261 : f32 to vector<32x1x8x128xf32>
    %pad3A_263 = tpu.concatenate %pad3A_262, %max3A_217 in 1 : vector<32x1x8x128xf32>, vector<32x8x8x128xf32> -> vector<32x9x8x128xf32>
    %pad3A_264 = vector.broadcast %convert_element_type3A_261 : f32 to vector<32x1x8x128xf32>
    %pad3A_265 = tpu.concatenate %pad3A_263, %pad3A_264 in 1 : vector<32x9x8x128xf32>, vector<32x1x8x128xf32> -> vector<32x10x8x128xf32>
    %pad3A_266 = vector.broadcast %convert_element_type3A_261 : f32 to vector<32x10x1x128xf32>
    %pad3A_267 = tpu.concatenate %pad3A_266, %pad3A_265 in 2 : vector<32x10x1x128xf32>, vector<32x10x8x128xf32> -> vector<32x10x9x128xf32>
    %pad3A_268 = vector.broadcast %convert_element_type3A_261 : f32 to vector<32x10x1x128xf32>
    %pad3A_269 = tpu.concatenate %pad3A_267, %pad3A_268 in 2 : vector<32x10x9x128xf32>, vector<32x10x1x128xf32> -> vector<32x10x10x128xf32>
    %jit3A_270 = arith.constant 0 : i32
    %convert_element_type3A_271 = arith.sitofp %jit3A_270 : i32 to f32
    %pad3A_272 = vector.broadcast %convert_element_type3A_271 : f32 to vector<32x1x8x128xf32>
    %pad3A_273 = tpu.concatenate %pad3A_272, %max3A_230 in 1 : vector<32x1x8x128xf32>, vector<32x8x8x128xf32> -> vector<32x9x8x128xf32>
    %pad3A_274 = vector.broadcast %convert_element_type3A_271 : f32 to vector<32x1x8x128xf32>
    %pad3A_275 = tpu.concatenate %pad3A_273, %pad3A_274 in 1 : vector<32x9x8x128xf32>, vector<32x1x8x128xf32> -> vector<32x10x8x128xf32>
    %pad3A_276 = vector.broadcast %convert_element_type3A_271 : f32 to vector<32x10x1x128xf32>
    %pad3A_277 = tpu.concatenate %pad3A_276, %pad3A_275 in 2 : vector<32x10x1x128xf32>, vector<32x10x8x128xf32> -> vector<32x10x9x128xf32>
    %pad3A_278 = vector.broadcast %convert_element_type3A_271 : f32 to vector<32x10x1x128xf32>
    %pad3A_279 = tpu.concatenate %pad3A_277, %pad3A_278 in 2 : vector<32x10x9x128xf32>, vector<32x10x1x128xf32> -> vector<32x10x10x128xf32>
    %jit3A_280 = arith.constant 0 : i32
    %convert_element_type3A_281 = arith.sitofp %jit3A_280 : i32 to f32
    %pad3A_282 = vector.broadcast %convert_element_type3A_281 : f32 to vector<32x1x8x128xf32>
    %pad3A_283 = tpu.concatenate %pad3A_282, %max3A_243 in 1 : vector<32x1x8x128xf32>, vector<32x8x8x128xf32> -> vector<32x9x8x128xf32>
    %pad3A_284 = vector.broadcast %convert_element_type3A_281 : f32 to vector<32x1x8x128xf32>
    %pad3A_285 = tpu.concatenate %pad3A_283, %pad3A_284 in 1 : vector<32x9x8x128xf32>, vector<32x1x8x128xf32> -> vector<32x10x8x128xf32>
    %pad3A_286 = vector.broadcast %convert_element_type3A_281 : f32 to vector<32x10x1x128xf32>
    %pad3A_287 = tpu.concatenate %pad3A_286, %pad3A_285 in 2 : vector<32x10x1x128xf32>, vector<32x10x8x128xf32> -> vector<32x10x9x128xf32>
    %pad3A_288 = vector.broadcast %convert_element_type3A_281 : f32 to vector<32x10x1x128xf32>
    %pad3A_289 = tpu.concatenate %pad3A_287, %pad3A_288 in 2 : vector<32x10x9x128xf32>, vector<32x10x1x128xf32> -> vector<32x10x10x128xf32>
    %slice3A_290 = vector.extract_strided_slice %pad3A_289 {offsets = [0, 0, 0, 0], sizes = [32, 8, 8, 128], strides = [1, 1, 1, 1]} : vector<32x10x10x128xf32> to vector<32x8x8x128xf32>
    %slice3A_291 = vector.extract_strided_slice %pad3A_279 {offsets = [0, 0, 1, 0], sizes = [32, 8, 8, 128], strides = [1, 1, 1, 1]} : vector<32x10x10x128xf32> to vector<32x8x8x128xf32>
    %slice3A_292 = vector.extract_strided_slice %pad3A_269 {offsets = [0, 1, 0, 0], sizes = [32, 8, 8, 128], strides = [1, 1, 1, 1]} : vector<32x10x10x128xf32> to vector<32x8x8x128xf32>
    %slice3A_293 = vector.extract_strided_slice %pad3A_259 {offsets = [0, 1, 1, 0], sizes = [32, 8, 8, 128], strides = [1, 1, 1, 1]} : vector<32x10x10x128xf32> to vector<32x8x8x128xf32>
    %concatenate3A = tpu.concatenate %slice3A_290, %slice3A_291, %slice3A_292, %slice3A_293 in 3 : vector<32x8x8x128xf32>, vector<32x8x8x128xf32>, vector<32x8x8x128xf32>, vector<32x8x8x128xf32> -> vector<32x8x8x512xf32>
    %reshape3A_294 = vector.shape_cast %concatenate3A : vector<32x8x8x512xf32> to vector<2048x512xf32>
    %slice3A_295 = vector.extract_strided_slice %get3A_247 {offsets = [0, 0, 0], sizes = [1, 512, 48], strides = [1, 1, 1]} : vector<16x512x48xf32> to vector<1x512x48xf32>
    %squeeze3A = vector.shape_cast %slice3A_295 : vector<1x512x48xf32> to vector<512x48xf32>
    %dot_general3A_296 = arith.constant dense<0.000000e+00> : vector<2048x48xf32>
    %dot_general3A_297 = tpu.matmul %reshape3A_294, %squeeze3A, %dot_general3A_296 {dimension_numbers = #tpu.dot_dimension_numbers<[1], [0], [0], [1], [0, 0, 1, 1], [], []>, transpose_lhs_hint = false} : vector<2048x512xf32>, vector<512x48xf32>, vector<2048x48xf32> -> vector<2048x48xf32>
    %slice3A_298 = vector.extract_strided_slice %pad3A_279 {offsets = [0, 0, 1, 0], sizes = [32, 8, 8, 128], strides = [1, 1, 1, 1]} : vector<32x10x10x128xf32> to vector<32x8x8x128xf32>
    %slice3A_299 = vector.extract_strided_slice %pad3A_289 {offsets = [0, 0, 1, 0], sizes = [32, 8, 8, 128], strides = [1, 1, 1, 1]} : vector<32x10x10x128xf32> to vector<32x8x8x128xf32>
    %slice3A_300 = vector.extract_strided_slice %pad3A_259 {offsets = [0, 1, 1, 0], sizes = [32, 8, 8, 128], strides = [1, 1, 1, 1]} : vector<32x10x10x128xf32> to vector<32x8x8x128xf32>
    %slice3A_301 = vector.extract_strided_slice %pad3A_269 {offsets = [0, 1, 1, 0], sizes = [32, 8, 8, 128], strides = [1, 1, 1, 1]} : vector<32x10x10x128xf32> to vector<32x8x8x128xf32>
    %concatenate3A_302 = tpu.concatenate %slice3A_298, %slice3A_299, %slice3A_300, %slice3A_301 in 3 : vector<32x8x8x128xf32>, vector<32x8x8x128xf32>, vector<32x8x8x128xf32>, vector<32x8x8x128xf32> -> vector<32x8x8x512xf32>
    %reshape3A_303 = vector.shape_cast %concatenate3A_302 : vector<32x8x8x512xf32> to vector<2048x512xf32>
    %slice3A_304 = vector.extract_strided_slice %get3A_247 {offsets = [1, 0, 0], sizes = [1, 512, 48], strides = [1, 1, 1]} : vector<16x512x48xf32> to vector<1x512x48xf32>
    %squeeze3A_305 = vector.shape_cast %slice3A_304 : vector<1x512x48xf32> to vector<512x48xf32>
    %dot_general3A_306 = arith.constant dense<0.000000e+00> : vector<2048x48xf32>
    %dot_general3A_307 = tpu.matmul %reshape3A_303, %squeeze3A_305, %dot_general3A_306 {dimension_numbers = #tpu.dot_dimension_numbers<[1], [0], [0], [1], [0, 0, 1, 1], [], []>, transpose_lhs_hint = false} : vector<2048x512xf32>, vector<512x48xf32>, vector<2048x48xf32> -> vector<2048x48xf32>
    %add3A_308 = arith.addf %dot_general3A_297, %dot_general3A_307 : vector<2048x48xf32>
    %slice3A_309 = vector.extract_strided_slice %pad3A_279 {offsets = [0, 0, 1, 0], sizes = [32, 8, 8, 128], strides = [1, 1, 1, 1]} : vector<32x10x10x128xf32> to vector<32x8x8x128xf32>
    %slice3A_310 = vector.extract_strided_slice %pad3A_289 {offsets = [0, 0, 1, 0], sizes = [32, 8, 8, 128], strides = [1, 1, 1, 1]} : vector<32x10x10x128xf32> to vector<32x8x8x128xf32>
    %slice3A_311 = vector.extract_strided_slice %pad3A_259 {offsets = [0, 1, 1, 0], sizes = [32, 8, 8, 128], strides = [1, 1, 1, 1]} : vector<32x10x10x128xf32> to vector<32x8x8x128xf32>
    %slice3A_312 = vector.extract_strided_slice %pad3A_269 {offsets = [0, 1, 1, 0], sizes = [32, 8, 8, 128], strides = [1, 1, 1, 1]} : vector<32x10x10x128xf32> to vector<32x8x8x128xf32>
    %concatenate3A_313 = tpu.concatenate %slice3A_309, %slice3A_310, %slice3A_311, %slice3A_312 in 3 : vector<32x8x8x128xf32>, vector<32x8x8x128xf32>, vector<32x8x8x128xf32>, vector<32x8x8x128xf32> -> vector<32x8x8x512xf32>
    %reshape3A_314 = vector.shape_cast %concatenate3A_313 : vector<32x8x8x512xf32> to vector<2048x512xf32>
    %slice3A_315 = vector.extract_strided_slice %get3A_247 {offsets = [2, 0, 0], sizes = [1, 512, 48], strides = [1, 1, 1]} : vector<16x512x48xf32> to vector<1x512x48xf32>
    %squeeze3A_316 = vector.shape_cast %slice3A_315 : vector<1x512x48xf32> to vector<512x48xf32>
    %dot_general3A_317 = arith.constant dense<0.000000e+00> : vector<2048x48xf32>
    %dot_general3A_318 = tpu.matmul %reshape3A_314, %squeeze3A_316, %dot_general3A_317 {dimension_numbers = #tpu.dot_dimension_numbers<[1], [0], [0], [1], [0, 0, 1, 1], [], []>, transpose_lhs_hint = false} : vector<2048x512xf32>, vector<512x48xf32>, vector<2048x48xf32> -> vector<2048x48xf32>
    %add3A_319 = arith.addf %add3A_308, %dot_general3A_318 : vector<2048x48xf32>
    %slice3A_320 = vector.extract_strided_slice %pad3A_289 {offsets = [0, 0, 1, 0], sizes = [32, 8, 8, 128], strides = [1, 1, 1, 1]} : vector<32x10x10x128xf32> to vector<32x8x8x128xf32>
    %slice3A_321 = vector.extract_strided_slice %pad3A_279 {offsets = [0, 0, 2, 0], sizes = [32, 8, 8, 128], strides = [1, 1, 1, 1]} : vector<32x10x10x128xf32> to vector<32x8x8x128xf32>
    %slice3A_322 = vector.extract_strided_slice %pad3A_269 {offsets = [0, 1, 1, 0], sizes = [32, 8, 8, 128], strides = [1, 1, 1, 1]} : vector<32x10x10x128xf32> to vector<32x8x8x128xf32>
    %slice3A_323 = vector.extract_strided_slice %pad3A_259 {offsets = [0, 1, 2, 0], sizes = [32, 8, 8, 128], strides = [1, 1, 1, 1]} : vector<32x10x10x128xf32> to vector<32x8x8x128xf32>
    %concatenate3A_324 = tpu.concatenate %slice3A_320, %slice3A_321, %slice3A_322, %slice3A_323 in 3 : vector<32x8x8x128xf32>, vector<32x8x8x128xf32>, vector<32x8x8x128xf32>, vector<32x8x8x128xf32> -> vector<32x8x8x512xf32>
    %reshape3A_325 = vector.shape_cast %concatenate3A_324 : vector<32x8x8x512xf32> to vector<2048x512xf32>
    %slice3A_326 = vector.extract_strided_slice %get3A_247 {offsets = [3, 0, 0], sizes = [1, 512, 48], strides = [1, 1, 1]} : vector<16x512x48xf32> to vector<1x512x48xf32>
    %squeeze3A_327 = vector.shape_cast %slice3A_326 : vector<1x512x48xf32> to vector<512x48xf32>
    %dot_general3A_328 = arith.constant dense<0.000000e+00> : vector<2048x48xf32>
    %dot_general3A_329 = tpu.matmul %reshape3A_325, %squeeze3A_327, %dot_general3A_328 {dimension_numbers = #tpu.dot_dimension_numbers<[1], [0], [0], [1], [0, 0, 1, 1], [], []>, transpose_lhs_hint = false} : vector<2048x512xf32>, vector<512x48xf32>, vector<2048x48xf32> -> vector<2048x48xf32>
    %add3A_330 = arith.addf %add3A_319, %dot_general3A_329 : vector<2048x48xf32>
    %slice3A_331 = vector.extract_strided_slice %pad3A_269 {offsets = [0, 1, 0, 0], sizes = [32, 8, 8, 128], strides = [1, 1, 1, 1]} : vector<32x10x10x128xf32> to vector<32x8x8x128xf32>
    %slice3A_332 = vector.extract_strided_slice %pad3A_259 {offsets = [0, 1, 1, 0], sizes = [32, 8, 8, 128], strides = [1, 1, 1, 1]} : vector<32x10x10x128xf32> to vector<32x8x8x128xf32>
    %slice3A_333 = vector.extract_strided_slice %pad3A_289 {offsets = [0, 1, 0, 0], sizes = [32, 8, 8, 128], strides = [1, 1, 1, 1]} : vector<32x10x10x128xf32> to vector<32x8x8x128xf32>
    %slice3A_334 = vector.extract_strided_slice %pad3A_279 {offsets = [0, 1, 1, 0], sizes = [32, 8, 8, 128], strides = [1, 1, 1, 1]} : vector<32x10x10x128xf32> to vector<32x8x8x128xf32>
    %concatenate3A_335 = tpu.concatenate %slice3A_331, %slice3A_332, %slice3A_333, %slice3A_334 in 3 : vector<32x8x8x128xf32>, vector<32x8x8x128xf32>, vector<32x8x8x128xf32>, vector<32x8x8x128xf32> -> vector<32x8x8x512xf32>
    %reshape3A_336 = vector.shape_cast %concatenate3A_335 : vector<32x8x8x512xf32> to vector<2048x512xf32>
    %slice3A_337 = vector.extract_strided_slice %get3A_247 {offsets = [4, 0, 0], sizes = [1, 512, 48], strides = [1, 1, 1]} : vector<16x512x48xf32> to vector<1x512x48xf32>
    %squeeze3A_338 = vector.shape_cast %slice3A_337 : vector<1x512x48xf32> to vector<512x48xf32>
    %dot_general3A_339 = arith.constant dense<0.000000e+00> : vector<2048x48xf32>
    %dot_general3A_340 = tpu.matmul %reshape3A_336, %squeeze3A_338, %dot_general3A_339 {dimension_numbers = #tpu.dot_dimension_numbers<[1], [0], [0], [1], [0, 0, 1, 1], [], []>, transpose_lhs_hint = false} : vector<2048x512xf32>, vector<512x48xf32>, vector<2048x48xf32> -> vector<2048x48xf32>
    %add3A_341 = arith.addf %add3A_330, %dot_general3A_340 : vector<2048x48xf32>
    %slice3A_342 = vector.extract_strided_slice %pad3A_259 {offsets = [0, 1, 1, 0], sizes = [32, 8, 8, 128], strides = [1, 1, 1, 1]} : vector<32x10x10x128xf32> to vector<32x8x8x128xf32>
    %slice3A_343 = vector.extract_strided_slice %pad3A_269 {offsets = [0, 1, 1, 0], sizes = [32, 8, 8, 128], strides = [1, 1, 1, 1]} : vector<32x10x10x128xf32> to vector<32x8x8x128xf32>
    %slice3A_344 = vector.extract_strided_slice %pad3A_279 {offsets = [0, 1, 1, 0], sizes = [32, 8, 8, 128], strides = [1, 1, 1, 1]} : vector<32x10x10x128xf32> to vector<32x8x8x128xf32>
    %slice3A_345 = vector.extract_strided_slice %pad3A_289 {offsets = [0, 1, 1, 0], sizes = [32, 8, 8, 128], strides = [1, 1, 1, 1]} : vector<32x10x10x128xf32> to vector<32x8x8x128xf32>
    %concatenate3A_346 = tpu.concatenate %slice3A_342, %slice3A_343, %slice3A_344, %slice3A_345 in 3 : vector<32x8x8x128xf32>, vector<32x8x8x128xf32>, vector<32x8x8x128xf32>, vector<32x8x8x128xf32> -> vector<32x8x8x512xf32>
    %reshape3A_347 = vector.shape_cast %concatenate3A_346 : vector<32x8x8x512xf32> to vector<2048x512xf32>
    %slice3A_348 = vector.extract_strided_slice %get3A_247 {offsets = [5, 0, 0], sizes = [1, 512, 48], strides = [1, 1, 1]} : vector<16x512x48xf32> to vector<1x512x48xf32>
    %squeeze3A_349 = vector.shape_cast %slice3A_348 : vector<1x512x48xf32> to vector<512x48xf32>
    %dot_general3A_350 = arith.constant dense<0.000000e+00> : vector<2048x48xf32>
    %dot_general3A_351 = tpu.matmul %reshape3A_347, %squeeze3A_349, %dot_general3A_350 {dimension_numbers = #tpu.dot_dimension_numbers<[1], [0], [0], [1], [0, 0, 1, 1], [], []>, transpose_lhs_hint = false} : vector<2048x512xf32>, vector<512x48xf32>, vector<2048x48xf32> -> vector<2048x48xf32>
    %add3A_352 = arith.addf %add3A_341, %dot_general3A_351 : vector<2048x48xf32>
    %slice3A_353 = vector.extract_strided_slice %pad3A_259 {offsets = [0, 1, 1, 0], sizes = [32, 8, 8, 128], strides = [1, 1, 1, 1]} : vector<32x10x10x128xf32> to vector<32x8x8x128xf32>
    %slice3A_354 = vector.extract_strided_slice %pad3A_269 {offsets = [0, 1, 1, 0], sizes = [32, 8, 8, 128], strides = [1, 1, 1, 1]} : vector<32x10x10x128xf32> to vector<32x8x8x128xf32>
    %slice3A_355 = vector.extract_strided_slice %pad3A_279 {offsets = [0, 1, 1, 0], sizes = [32, 8, 8, 128], strides = [1, 1, 1, 1]} : vector<32x10x10x128xf32> to vector<32x8x8x128xf32>
    %slice3A_356 = vector.extract_strided_slice %pad3A_289 {offsets = [0, 1, 1, 0], sizes = [32, 8, 8, 128], strides = [1, 1, 1, 1]} : vector<32x10x10x128xf32> to vector<32x8x8x128xf32>
    %concatenate3A_357 = tpu.concatenate %slice3A_353, %slice3A_354, %slice3A_355, %slice3A_356 in 3 : vector<32x8x8x128xf32>, vector<32x8x8x128xf32>, vector<32x8x8x128xf32>, vector<32x8x8x128xf32> -> vector<32x8x8x512xf32>
    %reshape3A_358 = vector.shape_cast %concatenate3A_357 : vector<32x8x8x512xf32> to vector<2048x512xf32>
    %slice3A_359 = vector.extract_strided_slice %get3A_247 {offsets = [6, 0, 0], sizes = [1, 512, 48], strides = [1, 1, 1]} : vector<16x512x48xf32> to vector<1x512x48xf32>
    %squeeze3A_360 = vector.shape_cast %slice3A_359 : vector<1x512x48xf32> to vector<512x48xf32>
    %dot_general3A_361 = arith.constant dense<0.000000e+00> : vector<2048x48xf32>
    %dot_general3A_362 = tpu.matmul %reshape3A_358, %squeeze3A_360, %dot_general3A_361 {dimension_numbers = #tpu.dot_dimension_numbers<[1], [0], [0], [1], [0, 0, 1, 1], [], []>, transpose_lhs_hint = false} : vector<2048x512xf32>, vector<512x48xf32>, vector<2048x48xf32> -> vector<2048x48xf32>
    %add3A_363 = arith.addf %add3A_352, %dot_general3A_362 : vector<2048x48xf32>
    %slice3A_364 = vector.extract_strided_slice %pad3A_269 {offsets = [0, 1, 1, 0], sizes = [32, 8, 8, 128], strides = [1, 1, 1, 1]} : vector<32x10x10x128xf32> to vector<32x8x8x128xf32>
    %slice3A_365 = vector.extract_strided_slice %pad3A_259 {offsets = [0, 1, 2, 0], sizes = [32, 8, 8, 128], strides = [1, 1, 1, 1]} : vector<32x10x10x128xf32> to vector<32x8x8x128xf32>
    %slice3A_366 = vector.extract_strided_slice %pad3A_289 {offsets = [0, 1, 1, 0], sizes = [32, 8, 8, 128], strides = [1, 1, 1, 1]} : vector<32x10x10x128xf32> to vector<32x8x8x128xf32>
    %slice3A_367 = vector.extract_strided_slice %pad3A_279 {offsets = [0, 1, 2, 0], sizes = [32, 8, 8, 128], strides = [1, 1, 1, 1]} : vector<32x10x10x128xf32> to vector<32x8x8x128xf32>
    %concatenate3A_368 = tpu.concatenate %slice3A_364, %slice3A_365, %slice3A_366, %slice3A_367 in 3 : vector<32x8x8x128xf32>, vector<32x8x8x128xf32>, vector<32x8x8x128xf32>, vector<32x8x8x128xf32> -> vector<32x8x8x512xf32>
    %reshape3A_369 = vector.shape_cast %concatenate3A_368 : vector<32x8x8x512xf32> to vector<2048x512xf32>
    %slice3A_370 = vector.extract_strided_slice %get3A_247 {offsets = [7, 0, 0], sizes = [1, 512, 48], strides = [1, 1, 1]} : vector<16x512x48xf32> to vector<1x512x48xf32>
    %squeeze3A_371 = vector.shape_cast %slice3A_370 : vector<1x512x48xf32> to vector<512x48xf32>
    %dot_general3A_372 = arith.constant dense<0.000000e+00> : vector<2048x48xf32>
    %dot_general3A_373 = tpu.matmul %reshape3A_369, %squeeze3A_371, %dot_general3A_372 {dimension_numbers = #tpu.dot_dimension_numbers<[1], [0], [0], [1], [0, 0, 1, 1], [], []>, transpose_lhs_hint = false} : vector<2048x512xf32>, vector<512x48xf32>, vector<2048x48xf32> -> vector<2048x48xf32>
    %add3A_374 = arith.addf %add3A_363, %dot_general3A_373 : vector<2048x48xf32>
    %slice3A_375 = vector.extract_strided_slice %pad3A_269 {offsets = [0, 1, 0, 0], sizes = [32, 8, 8, 128], strides = [1, 1, 1, 1]} : vector<32x10x10x128xf32> to vector<32x8x8x128xf32>
    %slice3A_376 = vector.extract_strided_slice %pad3A_259 {offsets = [0, 1, 1, 0], sizes = [32, 8, 8, 128], strides = [1, 1, 1, 1]} : vector<32x10x10x128xf32> to vector<32x8x8x128xf32>
    %slice3A_377 = vector.extract_strided_slice %pad3A_289 {offsets = [0, 1, 0, 0], sizes = [32, 8, 8, 128], strides = [1, 1, 1, 1]} : vector<32x10x10x128xf32> to vector<32x8x8x128xf32>
    %slice3A_378 = vector.extract_strided_slice %pad3A_279 {offsets = [0, 1, 1, 0], sizes = [32, 8, 8, 128], strides = [1, 1, 1, 1]} : vector<32x10x10x128xf32> to vector<32x8x8x128xf32>
    %concatenate3A_379 = tpu.concatenate %slice3A_375, %slice3A_376, %slice3A_377, %slice3A_378 in 3 : vector<32x8x8x128xf32>, vector<32x8x8x128xf32>, vector<32x8x8x128xf32>, vector<32x8x8x128xf32> -> vector<32x8x8x512xf32>
    %reshape3A_380 = vector.shape_cast %concatenate3A_379 : vector<32x8x8x512xf32> to vector<2048x512xf32>
    %slice3A_381 = vector.extract_strided_slice %get3A_247 {offsets = [8, 0, 0], sizes = [1, 512, 48], strides = [1, 1, 1]} : vector<16x512x48xf32> to vector<1x512x48xf32>
    %squeeze3A_382 = vector.shape_cast %slice3A_381 : vector<1x512x48xf32> to vector<512x48xf32>
    %dot_general3A_383 = arith.constant dense<0.000000e+00> : vector<2048x48xf32>
    %dot_general3A_384 = tpu.matmul %reshape3A_380, %squeeze3A_382, %dot_general3A_383 {dimension_numbers = #tpu.dot_dimension_numbers<[1], [0], [0], [1], [0, 0, 1, 1], [], []>, transpose_lhs_hint = false} : vector<2048x512xf32>, vector<512x48xf32>, vector<2048x48xf32> -> vector<2048x48xf32>
    %add3A_385 = arith.addf %add3A_374, %dot_general3A_384 : vector<2048x48xf32>
    %slice3A_386 = vector.extract_strided_slice %pad3A_259 {offsets = [0, 1, 1, 0], sizes = [32, 8, 8, 128], strides = [1, 1, 1, 1]} : vector<32x10x10x128xf32> to vector<32x8x8x128xf32>
    %slice3A_387 = vector.extract_strided_slice %pad3A_269 {offsets = [0, 1, 1, 0], sizes = [32, 8, 8, 128], strides = [1, 1, 1, 1]} : vector<32x10x10x128xf32> to vector<32x8x8x128xf32>
    %slice3A_388 = vector.extract_strided_slice %pad3A_279 {offsets = [0, 1, 1, 0], sizes = [32, 8, 8, 128], strides = [1, 1, 1, 1]} : vector<32x10x10x128xf32> to vector<32x8x8x128xf32>
    %slice3A_389 = vector.extract_strided_slice %pad3A_289 {offsets = [0, 1, 1, 0], sizes = [32, 8, 8, 128], strides = [1, 1, 1, 1]} : vector<32x10x10x128xf32> to vector<32x8x8x128xf32>
    %concatenate3A_390 = tpu.concatenate %slice3A_386, %slice3A_387, %slice3A_388, %slice3A_389 in 3 : vector<32x8x8x128xf32>, vector<32x8x8x128xf32>, vector<32x8x8x128xf32>, vector<32x8x8x128xf32> -> vector<32x8x8x512xf32>
    %reshape3A_391 = vector.shape_cast %concatenate3A_390 : vector<32x8x8x512xf32> to vector<2048x512xf32>
    %slice3A_392 = vector.extract_strided_slice %get3A_247 {offsets = [9, 0, 0], sizes = [1, 512, 48], strides = [1, 1, 1]} : vector<16x512x48xf32> to vector<1x512x48xf32>
    %squeeze3A_393 = vector.shape_cast %slice3A_392 : vector<1x512x48xf32> to vector<512x48xf32>
    %dot_general3A_394 = arith.constant dense<0.000000e+00> : vector<2048x48xf32>
    %dot_general3A_395 = tpu.matmul %reshape3A_391, %squeeze3A_393, %dot_general3A_394 {dimension_numbers = #tpu.dot_dimension_numbers<[1], [0], [0], [1], [0, 0, 1, 1], [], []>, transpose_lhs_hint = false} : vector<2048x512xf32>, vector<512x48xf32>, vector<2048x48xf32> -> vector<2048x48xf32>
    %add3A_396 = arith.addf %add3A_385, %dot_general3A_395 : vector<2048x48xf32>
    %slice3A_397 = vector.extract_strided_slice %pad3A_259 {offsets = [0, 1, 1, 0], sizes = [32, 8, 8, 128], strides = [1, 1, 1, 1]} : vector<32x10x10x128xf32> to vector<32x8x8x128xf32>
    %slice3A_398 = vector.extract_strided_slice %pad3A_269 {offsets = [0, 1, 1, 0], sizes = [32, 8, 8, 128], strides = [1, 1, 1, 1]} : vector<32x10x10x128xf32> to vector<32x8x8x128xf32>
    %slice3A_399 = vector.extract_strided_slice %pad3A_279 {offsets = [0, 1, 1, 0], sizes = [32, 8, 8, 128], strides = [1, 1, 1, 1]} : vector<32x10x10x128xf32> to vector<32x8x8x128xf32>
    %slice3A_400 = vector.extract_strided_slice %pad3A_289 {offsets = [0, 1, 1, 0], sizes = [32, 8, 8, 128], strides = [1, 1, 1, 1]} : vector<32x10x10x128xf32> to vector<32x8x8x128xf32>
    %concatenate3A_401 = tpu.concatenate %slice3A_397, %slice3A_398, %slice3A_399, %slice3A_400 in 3 : vector<32x8x8x128xf32>, vector<32x8x8x128xf32>, vector<32x8x8x128xf32>, vector<32x8x8x128xf32> -> vector<32x8x8x512xf32>
    %reshape3A_402 = vector.shape_cast %concatenate3A_401 : vector<32x8x8x512xf32> to vector<2048x512xf32>
    %slice3A_403 = vector.extract_strided_slice %get3A_247 {offsets = [10, 0, 0], sizes = [1, 512, 48], strides = [1, 1, 1]} : vector<16x512x48xf32> to vector<1x512x48xf32>
    %squeeze3A_404 = vector.shape_cast %slice3A_403 : vector<1x512x48xf32> to vector<512x48xf32>
    %dot_general3A_405 = arith.constant dense<0.000000e+00> : vector<2048x48xf32>
    %dot_general3A_406 = tpu.matmul %reshape3A_402, %squeeze3A_404, %dot_general3A_405 {dimension_numbers = #tpu.dot_dimension_numbers<[1], [0], [0], [1], [0, 0, 1, 1], [], []>, transpose_lhs_hint = false} : vector<2048x512xf32>, vector<512x48xf32>, vector<2048x48xf32> -> vector<2048x48xf32>
    %add3A_407 = arith.addf %add3A_396, %dot_general3A_406 : vector<2048x48xf32>
    %slice3A_408 = vector.extract_strided_slice %pad3A_269 {offsets = [0, 1, 1, 0], sizes = [32, 8, 8, 128], strides = [1, 1, 1, 1]} : vector<32x10x10x128xf32> to vector<32x8x8x128xf32>
    %slice3A_409 = vector.extract_strided_slice %pad3A_259 {offsets = [0, 1, 2, 0], sizes = [32, 8, 8, 128], strides = [1, 1, 1, 1]} : vector<32x10x10x128xf32> to vector<32x8x8x128xf32>
    %slice3A_410 = vector.extract_strided_slice %pad3A_289 {offsets = [0, 1, 1, 0], sizes = [32, 8, 8, 128], strides = [1, 1, 1, 1]} : vector<32x10x10x128xf32> to vector<32x8x8x128xf32>
    %slice3A_411 = vector.extract_strided_slice %pad3A_279 {offsets = [0, 1, 2, 0], sizes = [32, 8, 8, 128], strides = [1, 1, 1, 1]} : vector<32x10x10x128xf32> to vector<32x8x8x128xf32>
    %concatenate3A_412 = tpu.concatenate %slice3A_408, %slice3A_409, %slice3A_410, %slice3A_411 in 3 : vector<32x8x8x128xf32>, vector<32x8x8x128xf32>, vector<32x8x8x128xf32>, vector<32x8x8x128xf32> -> vector<32x8x8x512xf32>
    %reshape3A_413 = vector.shape_cast %concatenate3A_412 : vector<32x8x8x512xf32> to vector<2048x512xf32>
    %slice3A_414 = vector.extract_strided_slice %get3A_247 {offsets = [11, 0, 0], sizes = [1, 512, 48], strides = [1, 1, 1]} : vector<16x512x48xf32> to vector<1x512x48xf32>
    %squeeze3A_415 = vector.shape_cast %slice3A_414 : vector<1x512x48xf32> to vector<512x48xf32>
    %dot_general3A_416 = arith.constant dense<0.000000e+00> : vector<2048x48xf32>
    %dot_general3A_417 = tpu.matmul %reshape3A_413, %squeeze3A_415, %dot_general3A_416 {dimension_numbers = #tpu.dot_dimension_numbers<[1], [0], [0], [1], [0, 0, 1, 1], [], []>, transpose_lhs_hint = false} : vector<2048x512xf32>, vector<512x48xf32>, vector<2048x48xf32> -> vector<2048x48xf32>
    %add3A_418 = arith.addf %add3A_407, %dot_general3A_417 : vector<2048x48xf32>
    %slice3A_419 = vector.extract_strided_slice %pad3A_289 {offsets = [0, 1, 0, 0], sizes = [32, 8, 8, 128], strides = [1, 1, 1, 1]} : vector<32x10x10x128xf32> to vector<32x8x8x128xf32>
    %slice3A_420 = vector.extract_strided_slice %pad3A_279 {offsets = [0, 1, 1, 0], sizes = [32, 8, 8, 128], strides = [1, 1, 1, 1]} : vector<32x10x10x128xf32> to vector<32x8x8x128xf32>
    %slice3A_421 = vector.extract_strided_slice %pad3A_269 {offsets = [0, 2, 0, 0], sizes = [32, 8, 8, 128], strides = [1, 1, 1, 1]} : vector<32x10x10x128xf32> to vector<32x8x8x128xf32>
    %slice3A_422 = vector.extract_strided_slice %pad3A_259 {offsets = [0, 2, 1, 0], sizes = [32, 8, 8, 128], strides = [1, 1, 1, 1]} : vector<32x10x10x128xf32> to vector<32x8x8x128xf32>
    %concatenate3A_423 = tpu.concatenate %slice3A_419, %slice3A_420, %slice3A_421, %slice3A_422 in 3 : vector<32x8x8x128xf32>, vector<32x8x8x128xf32>, vector<32x8x8x128xf32>, vector<32x8x8x128xf32> -> vector<32x8x8x512xf32>
    %reshape3A_424 = vector.shape_cast %concatenate3A_423 : vector<32x8x8x512xf32> to vector<2048x512xf32>
    %slice3A_425 = vector.extract_strided_slice %get3A_247 {offsets = [12, 0, 0], sizes = [1, 512, 48], strides = [1, 1, 1]} : vector<16x512x48xf32> to vector<1x512x48xf32>
    %squeeze3A_426 = vector.shape_cast %slice3A_425 : vector<1x512x48xf32> to vector<512x48xf32>
    %dot_general3A_427 = arith.constant dense<0.000000e+00> : vector<2048x48xf32>
    %dot_general3A_428 = tpu.matmul %reshape3A_424, %squeeze3A_426, %dot_general3A_427 {dimension_numbers = #tpu.dot_dimension_numbers<[1], [0], [0], [1], [0, 0, 1, 1], [], []>, transpose_lhs_hint = false} : vector<2048x512xf32>, vector<512x48xf32>, vector<2048x48xf32> -> vector<2048x48xf32>
    %add3A_429 = arith.addf %add3A_418, %dot_general3A_428 : vector<2048x48xf32>
    %slice3A_430 = vector.extract_strided_slice %pad3A_279 {offsets = [0, 1, 1, 0], sizes = [32, 8, 8, 128], strides = [1, 1, 1, 1]} : vector<32x10x10x128xf32> to vector<32x8x8x128xf32>
    %slice3A_431 = vector.extract_strided_slice %pad3A_289 {offsets = [0, 1, 1, 0], sizes = [32, 8, 8, 128], strides = [1, 1, 1, 1]} : vector<32x10x10x128xf32> to vector<32x8x8x128xf32>
    %slice3A_432 = vector.extract_strided_slice %pad3A_259 {offsets = [0, 2, 1, 0], sizes = [32, 8, 8, 128], strides = [1, 1, 1, 1]} : vector<32x10x10x128xf32> to vector<32x8x8x128xf32>
    %slice3A_433 = vector.extract_strided_slice %pad3A_269 {offsets = [0, 2, 1, 0], sizes = [32, 8, 8, 128], strides = [1, 1, 1, 1]} : vector<32x10x10x128xf32> to vector<32x8x8x128xf32>
    %concatenate3A_434 = tpu.concatenate %slice3A_430, %slice3A_431, %slice3A_432, %slice3A_433 in 3 : vector<32x8x8x128xf32>, vector<32x8x8x128xf32>, vector<32x8x8x128xf32>, vector<32x8x8x128xf32> -> vector<32x8x8x512xf32>
    %reshape3A_435 = vector.shape_cast %concatenate3A_434 : vector<32x8x8x512xf32> to vector<2048x512xf32>
    %slice3A_436 = vector.extract_strided_slice %get3A_247 {offsets = [13, 0, 0], sizes = [1, 512, 48], strides = [1, 1, 1]} : vector<16x512x48xf32> to vector<1x512x48xf32>
    %squeeze3A_437 = vector.shape_cast %slice3A_436 : vector<1x512x48xf32> to vector<512x48xf32>
    %dot_general3A_438 = arith.constant dense<0.000000e+00> : vector<2048x48xf32>
    %dot_general3A_439 = tpu.matmul %reshape3A_435, %squeeze3A_437, %dot_general3A_438 {dimension_numbers = #tpu.dot_dimension_numbers<[1], [0], [0], [1], [0, 0, 1, 1], [], []>, transpose_lhs_hint = false} : vector<2048x512xf32>, vector<512x48xf32>, vector<2048x48xf32> -> vector<2048x48xf32>
    %add3A_440 = arith.addf %add3A_429, %dot_general3A_439 : vector<2048x48xf32>
    %slice3A_441 = vector.extract_strided_slice %pad3A_279 {offsets = [0, 1, 1, 0], sizes = [32, 8, 8, 128], strides = [1, 1, 1, 1]} : vector<32x10x10x128xf32> to vector<32x8x8x128xf32>
    %slice3A_442 = vector.extract_strided_slice %pad3A_289 {offsets = [0, 1, 1, 0], sizes = [32, 8, 8, 128], strides = [1, 1, 1, 1]} : vector<32x10x10x128xf32> to vector<32x8x8x128xf32>
    %slice3A_443 = vector.extract_strided_slice %pad3A_259 {offsets = [0, 2, 1, 0], sizes = [32, 8, 8, 128], strides = [1, 1, 1, 1]} : vector<32x10x10x128xf32> to vector<32x8x8x128xf32>
    %slice3A_444 = vector.extract_strided_slice %pad3A_269 {offsets = [0, 2, 1, 0], sizes = [32, 8, 8, 128], strides = [1, 1, 1, 1]} : vector<32x10x10x128xf32> to vector<32x8x8x128xf32>
    %concatenate3A_445 = tpu.concatenate %slice3A_441, %slice3A_442, %slice3A_443, %slice3A_444 in 3 : vector<32x8x8x128xf32>, vector<32x8x8x128xf32>, vector<32x8x8x128xf32>, vector<32x8x8x128xf32> -> vector<32x8x8x512xf32>
    %reshape3A_446 = vector.shape_cast %concatenate3A_445 : vector<32x8x8x512xf32> to vector<2048x512xf32>
    %slice3A_447 = vector.extract_strided_slice %get3A_247 {offsets = [14, 0, 0], sizes = [1, 512, 48], strides = [1, 1, 1]} : vector<16x512x48xf32> to vector<1x512x48xf32>
    %squeeze3A_448 = vector.shape_cast %slice3A_447 : vector<1x512x48xf32> to vector<512x48xf32>
    %dot_general3A_449 = arith.constant dense<0.000000e+00> : vector<2048x48xf32>
    %dot_general3A_450 = tpu.matmul %reshape3A_446, %squeeze3A_448, %dot_general3A_449 {dimension_numbers = #tpu.dot_dimension_numbers<[1], [0], [0], [1], [0, 0, 1, 1], [], []>, transpose_lhs_hint = false} : vector<2048x512xf32>, vector<512x48xf32>, vector<2048x48xf32> -> vector<2048x48xf32>
    %add3A_451 = arith.addf %add3A_440, %dot_general3A_450 : vector<2048x48xf32>
    %slice3A_452 = vector.extract_strided_slice %pad3A_289 {offsets = [0, 1, 1, 0], sizes = [32, 8, 8, 128], strides = [1, 1, 1, 1]} : vector<32x10x10x128xf32> to vector<32x8x8x128xf32>
    %slice3A_453 = vector.extract_strided_slice %pad3A_279 {offsets = [0, 1, 2, 0], sizes = [32, 8, 8, 128], strides = [1, 1, 1, 1]} : vector<32x10x10x128xf32> to vector<32x8x8x128xf32>
    %slice3A_454 = vector.extract_strided_slice %pad3A_269 {offsets = [0, 2, 1, 0], sizes = [32, 8, 8, 128], strides = [1, 1, 1, 1]} : vector<32x10x10x128xf32> to vector<32x8x8x128xf32>
    %slice3A_455 = vector.extract_strided_slice %pad3A_259 {offsets = [0, 2, 2, 0], sizes = [32, 8, 8, 128], strides = [1, 1, 1, 1]} : vector<32x10x10x128xf32> to vector<32x8x8x128xf32>
    %concatenate3A_456 = tpu.concatenate %slice3A_452, %slice3A_453, %slice3A_454, %slice3A_455 in 3 : vector<32x8x8x128xf32>, vector<32x8x8x128xf32>, vector<32x8x8x128xf32>, vector<32x8x8x128xf32> -> vector<32x8x8x512xf32>
    %reshape3A_457 = vector.shape_cast %concatenate3A_456 : vector<32x8x8x512xf32> to vector<2048x512xf32>
    %slice3A_458 = vector.extract_strided_slice %get3A_247 {offsets = [15, 0, 0], sizes = [1, 512, 48], strides = [1, 1, 1]} : vector<16x512x48xf32> to vector<1x512x48xf32>
    %squeeze3A_459 = vector.shape_cast %slice3A_458 : vector<1x512x48xf32> to vector<512x48xf32>
    %dot_general3A_460 = arith.constant dense<0.000000e+00> : vector<2048x48xf32>
    %dot_general3A_461 = tpu.matmul %reshape3A_457, %squeeze3A_459, %dot_general3A_460 {dimension_numbers = #tpu.dot_dimension_numbers<[1], [0], [0], [1], [0, 0, 1, 1], [], []>, transpose_lhs_hint = false} : vector<2048x512xf32>, vector<512x48xf32>, vector<2048x48xf32> -> vector<2048x48xf32>
    %add3A_462 = arith.addf %add3A_451, %dot_general3A_461 : vector<2048x48xf32>
    %broadcast_in_dim3A_463 = vector.shape_cast %get3A_249 : vector<48xf32> to vector<1x48xf32>
    %add3A_464 = vector.broadcast %broadcast_in_dim3A_463 : vector<1x48xf32> to vector<2048x48xf32>
    %add3A_465 = arith.addf %add3A_462, %add3A_464 : vector<2048x48xf32>
    %reshape3A_466 = vector.shape_cast %add3A_465 : vector<2048x48xf32> to vector<32x8x8x48xf32>
    %swap3A = arith.constant 0 : index
    %swap3A_467 = arith.constant 0 : index
    %swap3A_468 = arith.constant 0 : index
    %swap3A_469 = arith.constant 0 : index
    %swap3A_470 = vector.load %arg6[%swap3A, %swap3A_467, %swap3A_468, %swap3A_469] : memref<32x8x8x48xf32, #tpu.memory_space<vmem>>, vector<32x8x8x48xf32>
    tpu.vector_store %arg6[%swap3A, %swap3A_467, %swap3A_468, %swap3A_469], %reshape3A_466 {strides = array<i32>} : memref<32x8x8x48xf32, #tpu.memory_space<vmem>>, vector<32x8x8x48xf32>,
    return
  }
  func.func @transform_0(%arg0: i32) -> (i32, i32) {
    %c0_i32 = arith.constant 0 : i32
    %c0_i32_0 = arith.constant 0 : i32
    return %arg0, %c0_i32 : i32, i32
  }
  func.func @transform_1(%arg0: i32) -> (i32, i32) {
    %c0_i32 = arith.constant 0 : i32
    %c0_i32_0 = arith.constant 0 : i32
    %c0_i32_1 = arith.constant 0 : i32
    return %c0_i32, %c0_i32_0 : i32, i32
  }
  func.func @transform_2(%arg0: i32) -> i32 {
    %c0_i32 = arith.constant 0 : i32
    %c0_i32_0 = arith.constant 0 : i32
    return %c0_i32 : i32
  }
  func.func @transform_3(%arg0: i32) -> (i32, i32, i32) {
    %c0_i32 = arith.constant 0 : i32
    %c0_i32_0 = arith.constant 0 : i32
    %c0_i32_1 = arith.constant 0 : i32
    %c0_i32_2 = arith.constant 0 : i32
    return %c0_i32, %c0_i32_0, %c0_i32_1 : i32, i32, i32
  }
  func.func @transform_4(%arg0: i32) -> i32 {
    %c0_i32 = arith.constant 0 : i32
    %c0_i32_0 = arith.constant 0 : i32
    return %c0_i32 : i32
  }
  func.func @transform_5(%arg0: i32) -> (i32, i32, i32, i32) {
    %c0_i32 = arith.constant 0 : i32
    %c0_i32_0 = arith.constant 0 : i32
    %c0_i32_1 = arith.constant 0 : i32
    %c0_i32_2 = arith.constant 0 : i32
    return %arg0, %c0_i32, %c0_i32_0, %c0_i32_1 : i32, i32, i32, i32
  }
}

</mosaic_0001>

<sc_bundles>
// kernel: kernel.5.cloned.1.call-start
scs
__scs_entry_jumppad:
0x0: {  	(pc) =	sbr.rel $0x88, $3  }
0x1: {  	(tag) =	ssettag $0x0;
	lr =	simm.s32 $0x1  }
0x2: {  	[smem:$0x3F97] =	sst lr;
	_ =	strace $0xD0000000  }
0x3: {  	_ = 	snop  }
0x4: {  	_ = 	snop  }
0x5: {  	_ = 	snop  }
0x6: {  	_ = 	snop  }
0x7: {  	_ = 	snop  }
__scs_overlays_trampoline_lowered:
0x8: {  	[smem:$0x3FA6] =	sst s0  }
0x9: {  	[smem:$0x3FA7] =	sst s1  }
0xa: {  	[smem:$0x3FA8] =	sst s2  }
0xb: {  	[smem:$0x3FA9] =	sst s3  }
0xc: {  	[smem:$0x3FAA] =	sst s4  }
0xd: {  	[smem:$0x3FAB] =	sst s5  }
0xe: {  	[smem:$0x3FAC] =	sst s6  }
0xf: {  	[smem:$0x3FAD] =	sst s7  }
0x10: {  	[smem:$0x3FAE] =	sst s8  }
0x11: {  	[smem:$0x3FAF] =	sst s9;
	s0 =	simm.s32 @!p0 $0x0  }
0x12: {  	s1 =	sld [smem:$0x3F95];
	s0 =	simm.s32 @p0 $0x1  }
0x13: {  	[smem:$0x3FB0] =	sst s0;
	s0 =	simm.s32 @!p1 $0x0  }
0x14: {  	s2 =	sld [smem:$0x3F94];
	s0 =	simm.s32 @p1 $0x1  }
0x15: {  	[smem:$0x3FB1] =	sst s0;
	s0 =	simm.s32 @!p2 $0x0  }
0x16: {  	s3 =	sld [smem:$0x3FDB];
	s0 =	simm.s32 @p2 $0x1  }
0x17: {  	s4 =	simm.s32 $0x1BF5;
	[smem:$0x3FB3] =	sst s0  }
0x18: {  	s0 =	sld [smem:$0x3F96];
	_ =	swait.ge [sflag:s4], $0x0  }
0x19: {  	s7 =	sld [smem:$0x3F97]  }
0x1a: {  	s8 =	sadd.s32 $0xFFFFE003, lr  }
0x1b: {  	s9 =	sadd.s32 $0xFFFFFEF7, lr;
	s5 =	simm.s32 $0xFFFFFFFF;
	p2 =	slt.u32 s8, $0xFFFFF086  }
0x1c: {  	p1 =	slt.u32 s9, $0xF7A;
	s5 =	simm.s32 @!p2 $0x0  }
0x1d: {  	s5 =	simm.s32 @p1 $0x1;
	p0 =	seq.s32 s7, s2  }
0x1e: {  	s7 =	smul.u32 @!p0 $0xF7A, s2;
	p2 =	seq.s32 @!p0 s5, $0x0  }
0x1f: {  	s9 =	smul.u32 $0xF7A, s1;
	s8 =	simm.s32 @!p0 $0x1BF5;
	p2 =	por !p2, p0  }
0x20: {  	[sflag:s8] =	ssyncset.s32 @!p0 $0xFFFFF086;
	s6 =	sadd.s32 @!p0 s3, s7;
	s7 =	simm.s32 @!p0 $0x108  }
0x21: {  	s3 =	sadd.s32 s3, s9;
	s6 =	sadd.s32 @!p0 $0x88, s6;
	s7 =	simm.s32 @p2 $0x1082  }
0x22: {  	[simem:s7], [sflag:s8] =	dma.local @!p0 [hbm:s6], $0xF7A  }
0x23: {  	s9 =	sor.u32 $0xD0000000, s2;
	s6 =	simm.s32 $0x108;
	_ =	swait.ge @!p0 [sflag:s8], $0x0  }
0x24: {  	s3 =	sadd.s32 $0x88, s3;
	s6 =	simm.s32 @!p1 $0x1082;
	[sflag:s4] =	ssyncset.s32 $0xFFFFF086  }
0x25: {  	[simem:s6], [sflag:s4] =	dma.local [hbm:s3], $0xF7A  }
0x26: {  	[smem:$0x3F97] =	sst s1;
	(tag) =	ssettag s2;
	_ =	strace s9  }
0x27: {  	s1 =	sld [smem:$0x3FA7]  }
0x28: {  	s2 =	sld [smem:$0x3FA8]  }
0x29: {  	s4 =	sld [smem:$0x3FAA]  }
0x2a: {  	p0 =	seq.s32 s5, $0x0;
	s5 =	sld [smem:$0x3FAB]  }
0x2b: {  	s6 =	sld [smem:$0x3FAC]  }
0x2c: {  	s7 =	sld [smem:$0x3FAD]  }
0x2d: {  	s3 =	simm.s32 $0x108;
	s8 =	sld [smem:$0x3FAE]  }
0x2e: {  	s3 =	simm.s32 @!p0 $0x1082;
	s9 =	sld [smem:$0x3FAF]  }
0x2f: {  	lr =	sadd.s32 s0, s3;
	s0 =	sld [smem:$0x3FA6]  }
0x30: {  	s3 =	sld [smem:$0x3FA9]  }
0x31: {  	[smem:$0x3FB2] =	sst s10  }
0x32: {  	s10 =	sld [smem:$0x3FB0];
	_ =	sdelay $0x3  }
0x33: {  	p0 =	seq.s32 s10, $0x1;
	s10 =	sld [smem:$0x3FB2];
	_ =	sdelay $0x3  }
0x34: {  	[smem:$0x3FB2] =	sst s10  }
0x35: {  	s10 =	sld [smem:$0x3FB1];
	_ =	sdelay $0x3  }
0x36: {  	p1 =	seq.s32 s10, $0x1;
	s10 =	sld [smem:$0x3FB2];
	_ =	sdelay $0x3  }
0x37: {  	[smem:$0x3FB2] =	sst s10  }
0x38: {  	s10 =	sld [smem:$0x3FB3]  }
0x39: {  	_ = 	snop;
	(pc) =	sbr.ind lr, $3  }
0x3a: {  	_ = 	snop  }
0x3b: {  	_ = 	snop  }
0x3c: {  	p2 =	seq.s32 s10, $0x1;
	s10 =	sld [smem:$0x3FB2]  }
0x3d: {  	_ =	shalt  }
0x3e: {  	_ =	shalt  }
0x3f: {  	_ =	shalt  }
0x40: {  	_ =	shalt  }
0x41: {  	_ =	shalt  }
0x42: {  	_ =	shalt  }
0x43: {  	_ =	shalt  }
0x44: {  	_ =	shalt  }
0x45: {  	_ =	shalt  }
0x46: {  	_ =	shalt  }
0x47: {  	_ =	shalt  }
0x48: {  	_ =	shalt  }
0x49: {  	_ =	shalt  }
0x4a: {  	_ =	shalt  }
0x4b: {  	_ =	shalt  }
0x4c: {  	_ =	shalt  }
0x4d: {  	_ =	shalt  }
0x4e: {  	_ =	shalt  }
0x4f: {  	_ =	shalt  }
0x50: {  	_ =	shalt  }
0x51: {  	_ =	shalt  }
0x52: {  	_ =	shalt  }
0x53: {  	_ =	shalt  }
0x54: {  	_ =	shalt  }
0x55: {  	_ =	shalt  }
0x56: {  	_ =	shalt  }
0x57: {  	_ =	shalt  }
0x58: {  	_ =	shalt  }
0x59: {  	_ =	shalt  }
0x5a: {  	_ =	shalt  }
0x5b: {  	_ =	shalt  }
0x5c: {  	_ =	shalt  }
0x5d: {  	_ =	shalt  }
0x5e: {  	_ =	shalt  }
0x5f: {  	_ =	shalt  }
0x60: {  	_ =	shalt  }
0x61: {  	_ =	shalt  }
0x62: {  	_ =	shalt  }
0x63: {  	_ =	shalt  }
0x64: {  	_ =	shalt  }
0x65: {  	_ =	shalt  }
0x66: {  	_ =	shalt  }
0x67: {  	_ =	shalt  }
0x68: {  	_ =	shalt  }
0x69: {  	_ =	shalt  }
0x6a: {  	_ =	shalt  }
0x6b: {  	_ =	shalt  }
0x6c: {  	_ =	shalt  }
0x6d: {  	_ =	shalt  }
0x6e: {  	_ =	shalt  }
0x6f: {  	_ =	shalt  }
0x70: {  	_ =	shalt  }
0x71: {  	_ =	shalt  }
0x72: {  	_ =	shalt  }
0x73: {  	_ =	shalt  }
0x74: {  	_ =	shalt  }
0x75: {  	_ =	shalt  }
0x76: {  	_ =	shalt  }
0x77: {  	_ =	shalt  }
0x78: {  	_ =	shalt  }
0x79: {  	_ =	shalt  }
0x7a: {  	_ =	shalt  }
0x7b: {  	_ =	shalt  }
0x7c: {  	_ =	shalt  }
0x7d: {  	_ =	shalt  }
0x7e: {  	_ =	shalt  }
0x7f: {  	_ =	shalt  }
0x80: {  	_ =	shalt  }
0x81: {  	_ =	shalt  }
0x82: {  	_ =	shalt  }
0x83: {  	_ =	shalt  }
0x84: {  	_ =	shalt  }
0x85: {  	_ =	shalt  }
0x86: {  	_ =	shalt  }
0x87: {  	_ =	shalt  }
.Lfunc_end0:
.L_simem_size_0:
called_computation_lowered:
.L_overlay_start_0:
0x88: {  	s2 =	sld [smem:$0x3FD9]  }
0x89: {  	s3 =	sld [smem:$0x3FFE];
	_ =	sdelay $0x1  }
0x8a: {  	s1 =	srdreg.scid  }
0x8b: {  	s0 =	sand.u32 $0x1, s1  }
0x8c: {  	s17 =	sshll.u32 s0, $0xA;
	s2 =	sadd.s32 s3, s2  }
0x8d: {  	s2 =	sadd.s32 s2, s17  }
0x8e: {  	[smem:$0x3FBE] =	sst s2  }
0x8f: {  	_ = 	snop  }
0x90: {  	s2 =	sld [smem:$0x3FD0];
	(tm) =	ssettm $0x1  }
0x91: {  	s18 =	sld [smem:$0x3FFB];
	_ =	sdelay $0x3  }
0x92: {  	_ =	strace s18  }
0x93: {  	s3 =	sld [smem:$0x3FFC];
	_ =	sdelay $0x3  }
0x94: {  	_ =	strace s3  }
0x95: {  	s3 =	sld [smem:$0x3FFD];
	_ =	sdelay $0x3  }
0x96: {  	_ =	strace s3  }
0x97: {  	_ =	strace $0x8FFFFFFF  }
0x98: {  	s19 =	sld [smem:$0x3FDB];
	_ =	sdelay $0x1  }
0x99: {  	s4 =	simm.s32 $_scs_section_size  }
0x9a: {  	s5 =	simm.s32 $_size__tile_overlayer_lowered;
	s6 =	simm.s32 $_tile_overlayer_lowered  }
0x9b: {  	s22 =	simm.s32 $0x1BFF;
	s21 =	sshll.u32 s6, $0x1;
	s3 =	sadd.s32 s4, s19  }
0x9c: {  	s7 =	simm.s32 $0x0;
	s20 =	sshll.u32 s5, $0x1;
	s5 =	sadd.s32 s21, s3  }
0x9d: {  	[timem:s7], [sflag:s22] =	dma.local [hbm:s5], s20  }
0x9e: {  	_ =	swait.ge [sflag:s22], s20  }
0x9f: {  	s4 =	ssub.s32 $0x0, s20;
	[sflag:s22] =	ssyncset.done $0x0  }
0xa0: {  	[sflag:s22] =	ssyncadd.s32 s4;
	_ =	sdelay $0x1  }
0xa1: {  	s23 =	simm.s32 $0x1B8B  }
0xa2: {  	_ =	swait.ge [sflag:s23], $0x1  }
0xa3: {  	[sflag:s23] =	ssyncset.done $0x0  }
0xa4: {  	s25 =	simm.s32 $0x1B8E;
	s24 =	sld [smem:$0x3FFE];
	[sflag:s23] =	ssyncadd.s32 $0xFFFFFFFF  }
0xa5: {  	s26 =	simm.s32 $execute0_lowered;
	[smem:$0x3FD2] =	sst s25  }
0xa6: {  	s5 =	sshll.u32 s26, $0x1;
	_ =	strace $0x80000046;
	[dreg:$0x1] =	wrdreg $0xFFFFFFFF  }
0xa7: {  	s28 =	simm.s32 $_size_execute0_lowered;
	s3 =	sadd.s32 s3, s5;
	[dreg:$0x0] =	wrdreg $0x0  }
0xa8: {  	s5 =	sshll.u32 s28, $0x1;
	[dreg:$0x2] =	wrdreg s3  }
0xa9: {  	[dreg:$0x3] =	wrdreg s5  }
0xaa: {  	[dreg:$0x4] =	wrdreg $0xC0  }
0xab: {  	_ =	task [dreg:s7], $0x5FFFF  }
0xac: {  	[dreg:$0x1] =	wrdreg $0xFFFFFFFF  }
0xad: {  	[dreg:$0x0] =	wrdreg $0x60  }
0xae: {  	[dreg:$0x2] =	wrdreg s2  }
0xaf: {  	[dreg:$0x3] =	wrdreg s24  }
0xb0: {  	[dreg:$0x4] =	wrdreg $0x0  }
0xb1: {  	[dreg:$0x5] =	wrdreg $0x9  }
0xb2: {  	_ =	task.clear_ibuf [dreg:s7], $0x6FFFF;
	_ =	strace $0x90000046  }
0xb3: {  	s29 =	simm.s32 $0x9;
	_ =	strace $0x80000048  }
0xb4: {  	_ =	swait.ge [sflag:s29], $0x1  }
0xb5: {  	[sflag:s29] =	ssyncadd.s32 $0xFFFFFFFF  }
0xb6: {  	_ =	strace $0x90000048  }
0xb7: {  	_ =	sfence  }
0xb8: {  	s30 =	sld [smem:$0x0];
	_ =	sdelay $0x2  }
0xb9: {  	s31 =	sshll.u32 s1, $0xD;
	s1 =	sshrl.u32 s1, $0x2  }
0xba: {  	s3 =	sand.u32 $0x4000, s31;
	s1 =	sadd.s32 s1, s30  }
0xbb: {  	s0 =	sor.u32 s3, s0;
	s1 =	sshll.u32 s1, $0x11  }
0xbc: {  	s0 =	sor.u32 s1, s0  }
0xbd: {  	s0 =	sadd.s32 $0x8F2B, s0  }
0xbe: {  	[sflag:s0] =	ssyncadd.remote.s32 $0x1  }
0xbf: {  	_ =	sfence.sel $0xFFFF  }
0xc0: {  	[dreg:$0x0] =	wrdreg $0xFFFFFFFF;
	(pc) =	sbr.abs _section_cstart, $3  }
0xc1: {  	[dreg:$0x1] =	wrdreg $0xFFFFFFFF  }
0xc2: {  	_ =	task.clear_ibuf [dreg:s7], $0x2FFFF;
	_ =	strace $0x9FFFFFFF  }
0xc3: {  	(tm) =	ssettm $0x7FFFFFFF  }
tec
execute0_lowered:
.L_overlay_start_1:
0x0: {  	(tag) =	ssettag $0x1  }
0x1: {  	s4 =	rddreg [dreg:$0x0]  }
0x2: {  	s13 =	rddreg [dreg:$0x1]  }
0x3: {  	s2 =	rddreg [dreg:$0x2]  }
0x4: {  	s0 =	rddreg [dreg:$0x3];
	s3 =	simm.s32 $0x0;
	s1 =	stileid.u32  }
0x5: {  	s6 =	simm.s32 $0x2000;
	[smem:$0x7FF] =	sst s3;
	s8 =	sshll.u32 s1, $0xA  }
0x6: {  	s5 =	simm.s32 $0x2;
	_ =	strace $0x80000047;
	s4 =	sadd.s32 s4, s8  }
0x7: {  	[tilespmem:s6], [sflag:$0x2] =	stream.linear.gather [hbm4b:s4+s3], $0x2000, $0x38;
	[tilespmem:$0x14200] =	vst v63  }
0x8: {  	s7 =	srdreg.scid;
	_ =	swait.ge [sflag:s5], $0x2000  }
0x9: {  	s10 =	sand.u32 $0x1, s7;
	s30 =	sshll.u32 s1, $0xD;
	[sflag:s5] =	ssyncset.done $0x0  }
0xa: {  	s9 =	sshll.u32 s10, $0x9;
	s7 =	sadd.s32 s30, s2;
	[sflag:s5] =	ssyncadd.s32 $0xFFFFE000  }
0xb: {  	[spmem:s7] =	stream.linear.scatter [tilespmem:s6], [sflag:$0x2], $0x2000, $0x38;
	[tilespmem:$0x14200] =	vst v63  }
0xc: {  	s11 =	simm.s32 $0x4200;
	s14 =	sor.u32 s9, s8;
	_ =	swait.ge [sflag:s5], $0x2000  }
0xd: {  	s12 =	simm.s32 $0x1;
	s8 =	sshrl.u32 s14, $0x3;
	[sflag:s5] =	ssyncset.done $0x0  }
0xe: {  	s15 =	ssub.s32 $0x2, s10;
	s8 =	sadd.s32 s8, s13;
	[sflag:s5] =	ssyncadd.s32 $0xFFFFE000  }
0xf: {  	s9 =	simm.s32 $0x4000;
	s8 =	sadd.s32 $0x2C00, s8;
	[bflag:$0x0] =	sbarrier.arrive $0xFFFF  }
0x10: {  	[tilespmem:s9], [sflag:$0x2] =	stream.linear.gather [hbm4b:s8+s3], $0x200, $0x38;
	[tilespmem:$0x14200] =	vst v63  }
0x11: {  	s10 =	simm.s32 $0x200;
	s16 =	sshrl.u32 s15, $0x1;
	_ =	swait.ge [sflag:s5], $0x200  }
0x12: {  	s14 =	sshll.u32 s14, $0x4;
	s31 =	ssub.s32 s15, s16;
	[sflag:s5] =	ssyncset.done $0x0  }
0x13: {  	s13 =	sadd.s32 s14, s13;
	s14 =	smax.u32 s31, $0x1;
	[sflag:s5] =	ssyncadd.s32 $0xFFFFFE00  }
0x14: {  	[tilespmem:s11], [sflag:$0x1] =	stream.indirect.gather [spmem:s2], $0x80, s9, s10, $0xb8;
	[tilespmem:$0x14200] =	vst v63  }
0x15: {  	p0 =	sne.s32 s14, $0x1;
	_ =	swait.ge [sflag:s12], $0x10000  }
.Ltmp0:
0x16: {  	[sflag:s12] =	ssyncset.done $0x0;
	(pc) =	sbr.rel @!p0 .LBB2_2-.Ltmp0, $4  }
0x17: {  	s13 =	sadd.s32 $0x3400, s13;
	[sflag:s12] =	ssyncadd.s32 $0xFFFF0000  }
0x18: {  	[hbm4b:s13+s3] =	stream.linear.scatter [tilespmem:s11], [sflag:$0x2], $0x10000, $0x38;
	[tilespmem:$0x14200] =	vst v63  }
0x19: {  	_ =	swait.ge [sflag:s5], $0x10000  }
0x1a: {  	s14 =	sadd.s32 $0xFFFFFFFF, s14;
	[sflag:s5] =	ssyncset.done $0x0  }
.LBB2_1:
0x1b: {  	p0 =	sne.s32 s14, $0x1;
	s14 =	sadd.s32 $0xFFFFFFFF, s14;
	[sflag:s5] =	ssyncadd.s32 $0xFFFF0000  }
0x1c: {  	[tilespmem:s6], [sflag:$0x2] =	stream.linear.gather [hbm4b:s4+s3], $0x2000, $0x38;
	[tilespmem:$0x14200] =	vst v63  }
0x1d: {  	_ =	swait.ge [sflag:s5], $0x2000  }
0x1e: {  	[sflag:s5] =	ssyncset.done $0x0  }
0x1f: {  	[sflag:s5] =	ssyncadd.s32 $0xFFFFE000  }
0x20: {  	[spmem:s7] =	stream.linear.scatter [tilespmem:s6], [sflag:$0x2], $0x2000, $0x38;
	[tilespmem:$0x14200] =	vst v63  }
0x21: {  	_ =	swait.ge [sflag:s5], $0x2000  }
0x22: {  	[sflag:s5] =	ssyncset.done $0x0  }
0x23: {  	[sflag:s5] =	ssyncadd.s32 $0xFFFFE000  }
0x24: {  	[bflag:$0x0] =	sbarrier.arrive $0xFFFF  }
0x25: {  	[tilespmem:s9], [sflag:$0x2] =	stream.linear.gather [hbm4b:s8+s3], $0x200, $0x38;
	[tilespmem:$0x14200] =	vst v63  }
0x26: {  	_ =	swait.ge [sflag:s5], $0x200  }
0x27: {  	[sflag:s5] =	ssyncset.done $0x0  }
0x28: {  	[sflag:s5] =	ssyncadd.s32 $0xFFFFFE00  }
0x29: {  	[tilespmem:s11], [sflag:$0x1] =	stream.indirect.gather [spmem:s2], $0x80, s9, s10, $0xb8;
	[tilespmem:$0x14200] =	vst v63  }
0x2a: {  	_ =	swait.ge [sflag:s12], $0x10000  }
.Ltmp1:
0x2b: {  	[sflag:s12] =	ssyncset.done $0x0;
	(pc) =	sbr.rel @p0 .LBB2_1-.Ltmp1, $4  }
0x2c: {  	[sflag:s12] =	ssyncadd.s32 $0xFFFF0000  }
0x2d: {  	[hbm4b:s13+s3] =	stream.linear.scatter [tilespmem:s11], [sflag:$0x2], $0x10000, $0x38;
	[tilespmem:$0x14200] =	vst v63  }
0x2e: {  	_ =	swait.ge [sflag:s5], $0x10000  }
0x2f: {  	[sflag:s5] =	ssyncset.done $0x0  }
.LBB2_2:
0x30: {  	[sflag:s5] =	ssyncadd.s32 $0xFFFF0000  }
0x31: {  	_ =	sfence.sel $0x180000  }
0x32: {  	[bflag:$0x0] =	sbarrier.arrive $0xFFFF  }
0x33: {  	p0 =	sne.s32 s1, $0x0;
	_ =	strace $0x90000047  }
0x34: {  	s0 =	sadd.s32 @!p0 $0x100000, s0;
	[bflag:$0x2] =	sbarrier.arrive $0xFFFF  }
0x35: {  	[sflag:s0] =	ssyncadd.tile.s32 @!p0 $0x1;
	_ =	shalt  }
.Lfunc_end2:
_tile_overlayer_lowered:
.L_overlay_start_2:
0x36: {  	(tag) =	ssettag $0x2  }
0x37: {  	s0 =	rddreg [dreg:$0x0];
	s2 =	stileid.u32  }
0x38: {  	s1 =	rddreg [dreg:$0x1];
	p0 =	sne.s32 s2, $0x0  }
0x39: {  	s3 =	rddreg [dreg:$0x2];
	[bflag:$0x3] =	sbarrier.arrive $0xFFFF;
	s2 =	simm.s32 @!p0 $0x1C02  }
0x3a: {  	[timem:s3], [sflag:s2] =	dma.local @!p0 [hbm:s0], s1  }
0x3b: {  	s0 =	simm.s32 @!p0 $0x2  }
0x3c: {  	_ =	swait.ge @!p0 [sflag:s0], s1  }
0x3d: {  	s1 =	ssub.s32 @!p0 $0x0, s1;
	[sflag:s0] =	ssyncset.done @!p0 $0x0  }
0x3e: {  	[sflag:s0] =	ssyncadd.s32 @!p0 s1  }
0x3f: {  	[bflag:$0x3] =	sbarrier.arrive $0xFFFF  }
0x40: {  	_ =	shalt  }

</sc_bundles>
